<compile_context>
chip_gen: v7x
topology: tpu7x:2x2x1
jax: 0.10.2.dev20260603
libtpu: 0.0.44.dev20260713+nightly
codegen_flags: <defaults>
</compile_context>

<pallas_src>
import functools

import jax
import jax.numpy as jnp
import numpy as np
from jax import lax
from jax.experimental import pallas as pl
from jax.experimental.pallas import tpu as pltpu
from jax.experimental.pallas import tpu_sc as plsc

N = 10000
NPAD = 10240
E = 320000
EPAD = 327680
CH = 128
CHUNKS = EPAD // (32 * CH)
RPT = NPAD // 16
D = 128

_mesh = plsc.VectorSubcoreMesh(
    core_axis_name="c", subcore_axis_name="s", num_cores=2, num_subcores=16)


@functools.partial(
    pl.kernel,
    out_type=jax.ShapeDtypeStruct((2, NPAD), jnp.float32),
    mesh=_mesh,
    scratch_types=[
        pltpu.VMEM((CHUNKS, CH), jnp.int32),
        pltpu.VMEM((CH,), jnp.float32),
        pltpu.VMEM_SHARED((NPAD,), jnp.float32),
        pltpu.SemaphoreType.DMA,
    ],
)
def _sc_degree(idx_hbm, zeros_hbm, out_hbm, dst_blk, ones_v, acc, sem):
    c = lax.axis_index("c")
    s = lax.axis_index("s")
    r0 = s * RPT
    pltpu.sync_copy(zeros_hbm.at[pl.ds(r0, RPT)], acc.at[pl.ds(r0, RPT)])
    pltpu.sync_copy(idx_hbm.at[1, c, s], dst_blk)
    for k in range(CH // 16):
        ones_v[pl.ds(k * 16, 16)] = jnp.ones((16,), jnp.float32)
    plsc.subcore_barrier()

    def fire(j, carry):
        pltpu.make_async_copy(ones_v, acc.at[dst_blk.at[j]], sem).start(
            add=True)
        return carry

    lax.fori_loop(0, CHUNKS, fire, 0)

    def drain(j, carry):
        pltpu.make_async_copy(ones_v, acc.at[dst_blk.at[0]], sem).wait()
        return carry

    lax.fori_loop(0, CHUNKS, drain, 0)
    plsc.subcore_barrier()
    pltpu.sync_copy(acc.at[pl.ds(r0, RPT)], out_hbm.at[c, pl.ds(r0, RPT)])


@functools.partial(
    pl.kernel,
    out_type=jax.ShapeDtypeStruct((2, NPAD, D), jnp.float32),
    mesh=_mesh,
    scratch_types=[
        pltpu.VMEM((CHUNKS // 2, CH), jnp.int32),
        pltpu.VMEM((CHUNKS // 2, CH), jnp.int32),
        pltpu.VMEM((CH, D), jnp.float32),
        pltpu.VMEM((CH, D), jnp.float32),
        pltpu.VMEM_SHARED((NPAD, D), jnp.float32),
        pltpu.SemaphoreType.DMA,
        pltpu.SemaphoreType.DMA,
    ],
)
def _sc_aggregate(u_hbm, idx_hbm, zeros_hbm, out_hbm,
                  src_blk, dst_blk, rows0, rows1, acc, sem0, sem1):
    c = lax.axis_index("c")
    s = lax.axis_index("s")
    r0 = s * RPT
    HC = CHUNKS // 2
    pltpu.sync_copy(zeros_hbm.at[pl.ds(r0, RPT)], acc.at[pl.ds(r0, RPT)])
    plsc.subcore_barrier()

    for half in range(2):
        pltpu.sync_copy(idx_hbm.at[0, c, s, pl.ds(half * HC, HC)], src_blk)
        pltpu.sync_copy(idx_hbm.at[1, c, s, pl.ds(half * HC, HC)], dst_blk)
        pltpu.make_async_copy(u_hbm.at[src_blk.at[0]], rows0, sem0).start()

        def body(i, carry):
            j = 2 * i
            pltpu.make_async_copy(
                u_hbm.at[src_blk.at[j + 1]], rows1, sem1).start()
            pltpu.make_async_copy(
                u_hbm.at[src_blk.at[j]], rows0, sem0).wait()
            pltpu.sync_copy(rows0, acc.at[dst_blk.at[j]], add=True)

            @pl.when(j + 2 < HC)
            def _():
                pltpu.make_async_copy(
                    u_hbm.at[src_blk.at[j + 2]], rows0, sem0).start()

            pltpu.make_async_copy(
                u_hbm.at[src_blk.at[j + 1]], rows1, sem1).wait()
            pltpu.sync_copy(rows1, acc.at[dst_blk.at[j + 1]], add=True)
            return carry

        lax.fori_loop(0, HC // 2, body, 0)
    plsc.subcore_barrier()
    pltpu.sync_copy(acc.at[pl.ds(r0, RPT)], out_hbm.at[c, pl.ds(r0, RPT)])


RB = 2000


def _tc_h_body(x_ref, w1_ref, h_ref):
    h_ref[...] = jnp.dot(
        x_ref[...], w1_ref[...], preferred_element_type=jnp.float32)


_tc_h = pl.pallas_call(
    _tc_h_body,
    grid=(N // RB,),
    in_specs=[
        pl.BlockSpec((RB, D), lambda i: (i, 0)),
        pl.BlockSpec((D, D), lambda i: (0, 0)),
    ],
    out_specs=pl.BlockSpec((RB, D), lambda i: (i, 0)),
    out_shape=jax.ShapeDtypeStruct((N, D), jnp.float32),
)


def _tc_u_body(h_ref, degt_ref, u1_ref, dinv_ref):
    deg = degt_ref[:, 0] + degt_ref[:, 1] + 1.0
    dinv = lax.rsqrt(deg)
    u1_ref[...] = h_ref[...] * dinv[:, None]
    dinv_ref[...] = dinv[:, None]


_tc_u = pl.pallas_call(
    _tc_u_body,
    grid=(N // RB,),
    in_specs=[
        pl.BlockSpec((RB, D), lambda i: (i, 0)),
        pl.BlockSpec((RB, 2), lambda i: (i, 0)),
    ],
    out_specs=[
        pl.BlockSpec((RB, D), lambda i: (i, 0)),
        pl.BlockSpec((RB, 1), lambda i: (i, 0)),
    ],
    out_shape=[
        jax.ShapeDtypeStruct((N, D), jnp.float32),
        jax.ShapeDtypeStruct((N, 1), jnp.float32),
    ],
)


def _tc_d_body(s1_ref, u1_ref, dinv_ref, b1_ref, w2_ref, u2_ref):
    h = s1_ref[0] + s1_ref[1] + u1_ref[...]
    dinv = dinv_ref[...]
    y = jnp.maximum(h * dinv + b1_ref[...], 0.0)
    u2_ref[...] = (
        jnp.dot(y, w2_ref[...], preferred_element_type=jnp.float32) * dinv)


_tc_d = pl.pallas_call(
    _tc_d_body,
    grid=(N // RB,),
    in_specs=[
        pl.BlockSpec((2, RB, D), lambda i: (0, i, 0)),
        pl.BlockSpec((RB, D), lambda i: (i, 0)),
        pl.BlockSpec((RB, 1), lambda i: (i, 0)),
        pl.BlockSpec((1, D), lambda i: (0, 0)),
        pl.BlockSpec((D, D), lambda i: (0, 0)),
    ],
    out_specs=pl.BlockSpec((RB, D), lambda i: (i, 0)),
    out_shape=jax.ShapeDtypeStruct((N, D), jnp.float32),
)

RF = 2000
DH = 64


def _tc_f_body(s2_ref, u2_ref, dinv_ref, b2_ref, w3_ref, b3_ref, w4_ref,
               b4_ref, o_ref):
    h = s2_ref[0] + s2_ref[1] + u2_ref[...]
    y2 = h * dinv_ref[...] + b2_ref[...]
    z = jnp.maximum(
        jnp.dot(y2, w3_ref[...], preferred_element_type=jnp.float32)
        + b3_ref[...], 0.0)
    o_ref[...] = (
        jnp.dot(z, w4_ref[...], preferred_element_type=jnp.float32)
        + b4_ref[...])


_tc_f = pl.pallas_call(
    _tc_f_body,
    grid=(N // RF,),
    in_specs=[
        pl.BlockSpec((2, RF, D), lambda i: (0, i, 0)),
        pl.BlockSpec((RF, D), lambda i: (i, 0)),
        pl.BlockSpec((RF, 1), lambda i: (i, 0)),
        pl.BlockSpec((1, D), lambda i: (0, 0)),
        pl.BlockSpec((D, DH), lambda i: (0, 0)),
        pl.BlockSpec((1, DH), lambda i: (0, 0)),
        pl.BlockSpec((DH, 2), lambda i: (0, 0)),
        pl.BlockSpec((1, 2), lambda i: (0, 0)),
    ],
    out_specs=pl.BlockSpec((RF, 2), lambda i: (i, 0)),
    out_shape=jax.ShapeDtypeStruct((N, 2), jnp.float32),
)


def kernel(x, edge_index, W1, b1, W2, b2, W3, b3, W4, b4):
    npe = EPAD - E
    pad_both = np.stack([
        np.arange(npe, dtype=np.int32) * 10 % N,
        N + (np.arange(npe, dtype=np.int32) % (NPAD - N)),
    ])
    idx = jnp.concatenate(
        [edge_index.astype(jnp.int32), pad_both],
        axis=1).reshape(2, 2, 16, CHUNKS, CH)
    zeros1 = jnp.asarray(np.zeros((NPAD,), np.float32))
    zeros2 = jnp.asarray(np.zeros((NPAD, D), np.float32))

    h = _tc_h(x, W1)
    degp = _sc_degree(idx, zeros1)
    degt = degp[:, :N].T
    u1, dinv = _tc_u(h, degt)
    s1 = _sc_aggregate(u1, idx, zeros2)
    u2 = _tc_d(s1, u1, dinv, b1.reshape(1, D), W2)
    s2 = _sc_aggregate(u2, idx, zeros2)
    out = _tc_f(s2, u2, dinv, b2.reshape(1, D), W3, b3.reshape(1, DH),
                W4, b4.reshape(1, 2))
    return out

# --- scband reference (transcript-rebuilt; emitter-appended) ---
"""Pipeline reference for scband-gcn-with-mlp-32358283608679 (READ-ONLY COPY).

The authoritative reference and input builder live on the scoring server;
editing this copy changes nothing except your own understanding.
"""

import jax, jax.numpy as jnp
import numpy as np

N = 10000
E = 320000
D_IN = 128
D_HID = 128
D_GCN = 128
D_MLP = 64
D_OUT = 2


def setup_inputs(seed: int = 0) -> dict:
    key = jax.random.key(seed)
    ks = jax.random.split(key, 10)
    x = jax.random.normal(ks[0], (N, D_IN), dtype=jnp.float32)
    edge_index = jax.random.randint(ks[1], (2, E), 0, N)
    W1 = jax.random.normal(ks[2], (D_IN, D_HID), dtype=jnp.float32) / np.sqrt(D_IN)
    b1 = jnp.zeros((D_HID,), dtype=jnp.float32)
    W2 = jax.random.normal(ks[3], (D_HID, D_GCN), dtype=jnp.float32) / np.sqrt(D_HID)
    b2 = jnp.zeros((D_GCN,), dtype=jnp.float32)
    W3 = jax.random.normal(ks[4], (D_GCN, D_MLP), dtype=jnp.float32) / np.sqrt(D_GCN)
    b3 = jnp.zeros((D_MLP,), dtype=jnp.float32)
    W4 = jax.random.normal(ks[5], (D_MLP, D_OUT), dtype=jnp.float32) / np.sqrt(D_MLP)
    b4 = jnp.zeros((D_OUT,), dtype=jnp.float32)
    return {"x": x, "edge_index": edge_index, "W1": W1, "b1": b1, "W2": W2, "b2": b2, "W3": W3, "b3": b3, "W4": W4, "b4": b4}


def _gcn_conv(x, edge_index, W, b):
    # PyG GCNConv: add self-loops, symmetric normalization, linear, scatter-add at dst, bias
    n = x.shape[0]
    loop = jnp.arange(n, dtype=edge_index.dtype)
    src = jnp.concatenate([edge_index[0], loop])
    dst = jnp.concatenate([edge_index[1], loop])
    deg = jnp.zeros((n,), dtype=x.dtype).at[dst].add(1.0)
    deg_inv_sqrt = jnp.where(deg > 0, jax.lax.rsqrt(jnp.maximum(deg, 1e-12)), 0.0)
    norm = deg_inv_sqrt[src] * deg_inv_sqrt[dst]
    h = x @ W
    msg = h[src] * norm[:, None]
    out = jnp.zeros((n, W.shape[1]), dtype=x.dtype).at[dst].add(msg)
    return out + b


def reference(x, edge_index, W1, b1, W2, b2, W3, b3, W4, b4):
    h = _gcn_conv(x, edge_index, W1, b1)
    h = jax.nn.relu(h)
    h = _gcn_conv(h, edge_index, W2, b2)
    h = h @ W3 + b3
    h = jax.nn.relu(h)
    h = h @ W4 + b4
    return h

if __name__ == "__main__":
    import jax
    _d = setup_inputs()
    print(jax.jit(kernel)(*tuple(_d.values())))

</pallas_src>

<mosaic_0001>
#map = affine_map<(d0, d1) -> (0, 0)>
#map1 = affine_map<(d0, d1) -> (0, 0, 0, 0, 0)>
#map2 = affine_map<(d0, d1) -> (0, 0, 0)>
module attributes {stable_mosaic.version = 14 : i64} {
  func.func @_sc_aggregate(%arg0: i32, %arg1: i32, %arg2: memref<10000x128xf32, #tpu.memory_space<hbm>>, %arg3: memref<2x2x16x80x128xi32, #tpu.memory_space<hbm>>, %arg4: memref<10240x128xf32, #tpu.memory_space<hbm>>, %arg5: memref<2x10240x128xf32, #tpu.memory_space<hbm>>, %arg6: memref<40x128xi32, #tpu.memory_space<vmem>>, %arg7: memref<40x128xi32, #tpu.memory_space<vmem>>, %arg8: memref<128x128xf32, #tpu.memory_space<vmem>>, %arg9: memref<128x128xf32, #tpu.memory_space<vmem>>, %arg10: memref<10240x128xf32, #tpu.memory_space<vmem_shared>>, %arg11: memref<!tpu.dma_semaphore, #tpu.memory_space<semaphore_mem>>, %arg12: memref<!tpu.dma_semaphore, #tpu.memory_space<semaphore_mem>>) attributes {dimension_semantics = [#tpu.dimension_semantics<core_parallel>, #tpu.dimension_semantics<subcore_parallel>], iteration_bounds = array<i64: 2, 16>, scalar_prefetch = 0 : i64, scratch_operands = 7 : i64, tpu.core_type = #tpu.core_type<sc_vector_subcore>, window_params = [{transform_indices = #map}, {transform_indices = #map1}, {transform_indices = #map}, {transform_indices = #map2}]} {
    %mul3A = arith.constant 640 : i32
    %mul3A_0 = arith.muli %arg1, %mul3A : i32
    "tpu.region"() ({
      %run_scoped3A_29 = tpu.sem_alloc : memref<!tpu.dma_semaphore, #tpu.memory_space<semaphore_mem>>
      %dma_start3A_30 = arith.constant 0 : i32
      %dma_start3A_31 = tpu.memref_slice %arg10[%mul3A_0, %dma_start3A_30] : memref<10240x128xf32, #tpu.memory_space<vmem_shared>> -> memref<640x128xf32, #tpu.memory_space<vmem_shared>>
      %dma_start3A_32 = arith.constant 0 : i32
      %dma_start3A_33 = tpu.memref_slice %arg4[%mul3A_0, %dma_start3A_32] : memref<10240x128xf32, #tpu.memory_space<hbm>> -> memref<640x128xf32, #tpu.memory_space<hbm>>
      tpu.enqueue_dma source(%dma_start3A_33 : memref<640x128xf32, #tpu.memory_space<hbm>>) target(%dma_start3A_31 : memref<640x128xf32, #tpu.memory_space<vmem_shared>>) target_semaphore(%run_scoped3A_29 : memref<!tpu.dma_semaphore, #tpu.memory_space<semaphore_mem>>)
      %dma_wait3A = arith.constant 0 : i32
      %dma_wait3A_34 = tpu.memref_slice %arg10[%mul3A_0, %dma_wait3A] : memref<10240x128xf32, #tpu.memory_space<vmem_shared>> -> memref<640x128xf32, #tpu.memory_space<vmem_shared>>
      %dma_wait3A_35 = arith.constant 0 : i32
      %dma_wait3A_36 = tpu.memref_slice %arg4[%mul3A_0, %dma_wait3A_35] : memref<10240x128xf32, #tpu.memory_space<hbm>> -> memref<640x128xf32, #tpu.memory_space<hbm>>
      tpu.wait_dma2 semaphore(%run_scoped3A_29 : memref<!tpu.dma_semaphore, #tpu.memory_space<semaphore_mem>>) src(%dma_wait3A_36 : memref<640x128xf32, #tpu.memory_space<hbm>>) dst(%dma_wait3A_34 : memref<640x128xf32, #tpu.memory_space<vmem_shared>>)
      tpu.yield
    }) : () -> ()
    %barrier3A = arith.constant 0 : index
    tpu.barrier barrier_id(%barrier3A)
    %run_scoped3A = arith.constant 0 : i32
    "tpu.region"() ({
      %run_scoped3A_29 = tpu.sem_alloc : memref<!tpu.dma_semaphore, #tpu.memory_space<semaphore_mem>>
      %dma_start3A_30 = arith.constant 0 : i32
      %dma_start3A_31 = arith.constant 0 : i32
      %dma_start3A_32 = tpu.memref_slice %arg3[%run_scoped3A, %arg0, %arg1, %dma_start3A_30, %dma_start3A_31] : memref<2x2x16x80x128xi32, #tpu.memory_space<hbm>> -> memref<1x1x1x40x128xi32, #tpu.memory_space<hbm>>
      %dma_start3A_33 = tpu.memref_squeeze %dma_start3A_32 : memref<1x1x1x40x128xi32, #tpu.memory_space<hbm>> -> memref<40x128xi32, #tpu.memory_space<hbm>>
      %dma_start3A_34 = arith.constant 0 : i32
      %dma_start3A_35 = arith.constant 0 : i32
      %dma_start3A_36 = tpu.memref_slice %arg3[%run_scoped3A, %arg0, %arg1, %dma_start3A_34, %dma_start3A_35] : memref<2x2x16x80x128xi32, #tpu.memory_space<hbm>> -> memref<1x1x1x40x128xi32, #tpu.memory_space<hbm>>
      %dma_start3A_37 = tpu.memref_squeeze %dma_start3A_36 : memref<1x1x1x40x128xi32, #tpu.memory_space<hbm>> -> memref<40x128xi32, #tpu.memory_space<hbm>>
      tpu.enqueue_dma source(%dma_start3A_37 : memref<40x128xi32, #tpu.memory_space<hbm>>) target(%arg6 : memref<40x128xi32, #tpu.memory_space<vmem>>) target_semaphore(%run_scoped3A_29 : memref<!tpu.dma_semaphore, #tpu.memory_space<semaphore_mem>>)
      %dma_wait3A = arith.constant 0 : i32
      %dma_wait3A_38 = arith.constant 0 : i32
      %dma_wait3A_39 = tpu.memref_slice %arg3[%run_scoped3A, %arg0, %arg1, %dma_wait3A, %dma_wait3A_38] : memref<2x2x16x80x128xi32, #tpu.memory_space<hbm>> -> memref<1x1x1x40x128xi32, #tpu.memory_space<hbm>>
      %dma_wait3A_40 = tpu.memref_squeeze %dma_wait3A_39 : memref<1x1x1x40x128xi32, #tpu.memory_space<hbm>> -> memref<40x128xi32, #tpu.memory_space<hbm>>
      %dma_wait3A_41 = arith.constant 0 : i32
      %dma_wait3A_42 = arith.constant 0 : i32
      %dma_wait3A_43 = tpu.memref_slice %arg3[%run_scoped3A, %arg0, %arg1, %dma_wait3A_41, %dma_wait3A_42] : memref<2x2x16x80x128xi32, #tpu.memory_space<hbm>> -> memref<1x1x1x40x128xi32, #tpu.memory_space<hbm>>
      %dma_wait3A_44 = tpu.memref_squeeze %dma_wait3A_43 : memref<1x1x1x40x128xi32, #tpu.memory_space<hbm>> -> memref<40x128xi32, #tpu.memory_space<hbm>>
      tpu.wait_dma2 semaphore(%run_scoped3A_29 : memref<!tpu.dma_semaphore, #tpu.memory_space<semaphore_mem>>) src(%dma_wait3A_44 : memref<40x128xi32, #tpu.memory_space<hbm>>) dst(%arg6 : memref<40x128xi32, #tpu.memory_space<vmem>>)
      tpu.yield
    }) : () -> ()
    %run_scoped3A_1 = arith.constant 1 : i32
    "tpu.region"() ({
      %run_scoped3A_29 = tpu.sem_alloc : memref<!tpu.dma_semaphore, #tpu.memory_space<semaphore_mem>>
      %dma_start3A_30 = arith.constant 0 : i32
      %dma_start3A_31 = arith.constant 0 : i32
      %dma_start3A_32 = tpu.memref_slice %arg3[%run_scoped3A_1, %arg0, %arg1, %dma_start3A_30, %dma_start3A_31] : memref<2x2x16x80x128xi32, #tpu.memory_space<hbm>> -> memref<1x1x1x40x128xi32, #tpu.memory_space<hbm>>
      %dma_start3A_33 = tpu.memref_squeeze %dma_start3A_32 : memref<1x1x1x40x128xi32, #tpu.memory_space<hbm>> -> memref<40x128xi32, #tpu.memory_space<hbm>>
      %dma_start3A_34 = arith.constant 0 : i32
      %dma_start3A_35 = arith.constant 0 : i32
      %dma_start3A_36 = tpu.memref_slice %arg3[%run_scoped3A_1, %arg0, %arg1, %dma_start3A_34, %dma_start3A_35] : memref<2x2x16x80x128xi32, #tpu.memory_space<hbm>> -> memref<1x1x1x40x128xi32, #tpu.memory_space<hbm>>
      %dma_start3A_37 = tpu.memref_squeeze %dma_start3A_36 : memref<1x1x1x40x128xi32, #tpu.memory_space<hbm>> -> memref<40x128xi32, #tpu.memory_space<hbm>>
      tpu.enqueue_dma source(%dma_start3A_37 : memref<40x128xi32, #tpu.memory_space<hbm>>) target(%arg7 : memref<40x128xi32, #tpu.memory_space<vmem>>) target_semaphore(%run_scoped3A_29 : memref<!tpu.dma_semaphore, #tpu.memory_space<semaphore_mem>>)
      %dma_wait3A = arith.constant 0 : i32
      %dma_wait3A_38 = arith.constant 0 : i32
      %dma_wait3A_39 = tpu.memref_slice %arg3[%run_scoped3A_1, %arg0, %arg1, %dma_wait3A, %dma_wait3A_38] : memref<2x2x16x80x128xi32, #tpu.memory_space<hbm>> -> memref<1x1x1x40x128xi32, #tpu.memory_space<hbm>>
      %dma_wait3A_40 = tpu.memref_squeeze %dma_wait3A_39 : memref<1x1x1x40x128xi32, #tpu.memory_space<hbm>> -> memref<40x128xi32, #tpu.memory_space<hbm>>
      %dma_wait3A_41 = arith.constant 0 : i32
      %dma_wait3A_42 = arith.constant 0 : i32
      %dma_wait3A_43 = tpu.memref_slice %arg3[%run_scoped3A_1, %arg0, %arg1, %dma_wait3A_41, %dma_wait3A_42] : memref<2x2x16x80x128xi32, #tpu.memory_space<hbm>> -> memref<1x1x1x40x128xi32, #tpu.memory_space<hbm>>
      %dma_wait3A_44 = tpu.memref_squeeze %dma_wait3A_43 : memref<1x1x1x40x128xi32, #tpu.memory_space<hbm>> -> memref<40x128xi32, #tpu.memory_space<hbm>>
      tpu.wait_dma2 semaphore(%run_scoped3A_29 : memref<!tpu.dma_semaphore, #tpu.memory_space<semaphore_mem>>) src(%dma_wait3A_44 : memref<40x128xi32, #tpu.memory_space<hbm>>) dst(%arg7 : memref<40x128xi32, #tpu.memory_space<vmem>>)
      tpu.yield
    }) : () -> ()
    %dma_start3A = arith.constant 0 : i32
    %dma_start3A_2 = arith.constant 0 : i32
    %dma_start3A_3 = tpu.memref_slice %arg6[%dma_start3A, %dma_start3A_2] : memref<40x128xi32, #tpu.memory_space<vmem>> -> memref<1x128xi32, #tpu.memory_space<vmem>>
    %dma_start3A_4 = tpu.memref_squeeze %dma_start3A_3 : memref<1x128xi32, #tpu.memory_space<vmem>> -> memref<128xi32, #tpu.memory_space<vmem>>
    %dma_start3A_5 = arith.constant 0 : i32
    %dma_start3A_6 = arith.constant 0 : i32
    %dma_start3A_7 = tpu.memref_slice %arg2[%dma_start3A_5, %dma_start3A_6] : memref<10000x128xf32, #tpu.memory_space<hbm>> -> memref<10000x128xf32, #tpu.memory_space<hbm>>
    tpu.enqueue_indirect_dma source(%dma_start3A_7 : memref<10000x128xf32, #tpu.memory_space<hbm>>) target(%arg8 : memref<128x128xf32, #tpu.memory_space<vmem>>) offsets(%dma_start3A_4 : memref<128xi32, #tpu.memory_space<vmem>>) semaphore(%arg11 : memref<!tpu.dma_semaphore, #tpu.memory_space<semaphore_mem>>)
    %scan3A = arith.constant 0 : i32
    %scan3A_8 = arith.constant 0 : i32
    %scan3A_9 = arith.constant 20 : i32
    %scan3A_10 = arith.addi %scan3A_8, %scan3A_9 : i32
    %scan3A_11 = arith.constant 1 : i32
    scf.for %scan3A_29 = %scan3A_8 to %scan3A_10 step %scan3A_11  : i32 {
      %mul3A_30 = arith.constant 2 : i32
      %mul3A_31 = arith.muli %mul3A_30, %scan3A_29 : i32
      %add3A = arith.constant 1 : i32
      %add3A_32 = arith.addi %mul3A_31, %add3A : i32
      %dma_start3A_33 = arith.constant 0 : i32
      %dma_start3A_34 = tpu.memref_slice %arg6[%add3A_32, %dma_start3A_33] : memref<40x128xi32, #tpu.memory_space<vmem>> -> memref<1x128xi32, #tpu.memory_space<vmem>>
      %dma_start3A_35 = tpu.memref_squeeze %dma_start3A_34 : memref<1x128xi32, #tpu.memory_space<vmem>> -> memref<128xi32, #tpu.memory_space<vmem>>
      %dma_start3A_36 = arith.constant 0 : i32
      %dma_start3A_37 = arith.constant 0 : i32
      %dma_start3A_38 = tpu.memref_slice %arg2[%dma_start3A_36, %dma_start3A_37] : memref<10000x128xf32, #tpu.memory_space<hbm>> -> memref<10000x128xf32, #tpu.memory_space<hbm>>
      tpu.enqueue_indirect_dma source(%dma_start3A_38 : memref<10000x128xf32, #tpu.memory_space<hbm>>) target(%arg9 : memref<128x128xf32, #tpu.memory_space<vmem>>) offsets(%dma_start3A_35 : memref<128xi32, #tpu.memory_space<vmem>>) semaphore(%arg12 : memref<!tpu.dma_semaphore, #tpu.memory_space<semaphore_mem>>)
      %dma_wait3A = arith.constant 0 : i32
      %dma_wait3A_39 = tpu.memref_slice %arg6[%mul3A_31, %dma_wait3A] : memref<40x128xi32, #tpu.memory_space<vmem>> -> memref<1x128xi32, #tpu.memory_space<vmem>>
      %dma_wait3A_40 = tpu.memref_squeeze %dma_wait3A_39 : memref<1x128xi32, #tpu.memory_space<vmem>> -> memref<128xi32, #tpu.memory_space<vmem>>
      %dma_wait3A_41 = arith.constant 0 : i32
      %dma_wait3A_42 = arith.constant 0 : i32
      %dma_wait3A_43 = tpu.memref_slice %arg2[%dma_wait3A_41, %dma_wait3A_42] : memref<10000x128xf32, #tpu.memory_space<hbm>> -> memref<10000x128xf32, #tpu.memory_space<hbm>>
      tpu.wait_indirect_dma semaphore(%arg11 : memref<!tpu.dma_semaphore, #tpu.memory_space<semaphore_mem>>) src(%dma_wait3A_43 : memref<10000x128xf32, #tpu.memory_space<hbm>>) dst(%arg8 : memref<128x128xf32, #tpu.memory_space<vmem>>)
      "tpu.region"() ({
        %run_scoped3A_58 = tpu.sem_alloc : memref<!tpu.dma_semaphore, #tpu.memory_space<semaphore_mem>>
        %dma_start3A_59 = arith.constant 0 : i32
        %dma_start3A_60 = tpu.memref_slice %arg7[%mul3A_31, %dma_start3A_59] : memref<40x128xi32, #tpu.memory_space<vmem>> -> memref<1x128xi32, #tpu.memory_space<vmem>>
        %dma_start3A_61 = tpu.memref_squeeze %dma_start3A_60 : memref<1x128xi32, #tpu.memory_space<vmem>> -> memref<128xi32, #tpu.memory_space<vmem>>
        %dma_start3A_62 = arith.constant 0 : i32
        %dma_start3A_63 = arith.constant 0 : i32
        %dma_start3A_64 = tpu.memref_slice %arg10[%dma_start3A_62, %dma_start3A_63] : memref<10240x128xf32, #tpu.memory_space<vmem_shared>> -> memref<10240x128xf32, #tpu.memory_space<vmem_shared>>
        tpu.enqueue_indirect_dma source(%arg8 : memref<128x128xf32, #tpu.memory_space<vmem>>) target(%dma_start3A_64 : memref<10240x128xf32, #tpu.memory_space<vmem_shared>>) offsets(%dma_start3A_61 : memref<128xi32, #tpu.memory_space<vmem>>) semaphore(%run_scoped3A_58 : memref<!tpu.dma_semaphore, #tpu.memory_space<semaphore_mem>>) {add = true}
        %dma_wait3A_65 = arith.constant 0 : i32
        %dma_wait3A_66 = tpu.memref_slice %arg7[%mul3A_31, %dma_wait3A_65] : memref<40x128xi32, #tpu.memory_space<vmem>> -> memref<1x128xi32, #tpu.memory_space<vmem>>
        %dma_wait3A_67 = tpu.memref_squeeze %dma_wait3A_66 : memref<1x128xi32, #tpu.memory_space<vmem>> -> memref<128xi32, #tpu.memory_space<vmem>>
        %dma_wait3A_68 = arith.constant 0 : i32
        %dma_wait3A_69 = arith.constant 0 : i32
        %dma_wait3A_70 = tpu.memref_slice %arg10[%dma_wait3A_68, %dma_wait3A_69] : memref<10240x128xf32, #tpu.memory_space<vmem_shared>> -> memref<10240x128xf32, #tpu.memory_space<vmem_shared>>
        tpu.wait_indirect_dma semaphore(%run_scoped3A_58 : memref<!tpu.dma_semaphore, #tpu.memory_space<semaphore_mem>>) src(%arg8 : memref<128x128xf32, #tpu.memory_space<vmem>>) dst(%dma_wait3A_70 : memref<10240x128xf32, #tpu.memory_space<vmem_shared>>)
        tpu.yield
      }) : () -> ()
      %add3A_44 = arith.constant 2 : i32
      %add3A_45 = arith.addi %mul3A_31, %add3A_44 : i32
      %lt3A = arith.constant 40 : i32
      %lt3A_46 = arith.cmpi slt, %add3A_45, %lt3A : i32
      %convert_element_type3A = arith.extui %lt3A_46 : i1 to i32
      %cond3A = arith.constant 0 : i32
      %cond3A_47 = arith.cmpi ne, %convert_element_type3A, %cond3A : i32
      scf.if %cond3A_47 {
        %add3A_58 = arith.constant 2 : i32
        %add3A_59 = arith.addi %mul3A_31, %add3A_58 : i32
        %dma_start3A_60 = arith.constant 0 : i32
        %dma_start3A_61 = tpu.memref_slice %arg6[%add3A_59, %dma_start3A_60] : memref<40x128xi32, #tpu.memory_space<vmem>> -> memref<1x128xi32, #tpu.memory_space<vmem>>
        %dma_start3A_62 = tpu.memref_squeeze %dma_start3A_61 : memref<1x128xi32, #tpu.memory_space<vmem>> -> memref<128xi32, #tpu.memory_space<vmem>>
        %dma_start3A_63 = arith.constant 0 : i32
        %dma_start3A_64 = arith.constant 0 : i32
        %dma_start3A_65 = tpu.memref_slice %arg2[%dma_start3A_63, %dma_start3A_64] : memref<10000x128xf32, #tpu.memory_space<hbm>> -> memref<10000x128xf32, #tpu.memory_space<hbm>>
        tpu.enqueue_indirect_dma source(%dma_start3A_65 : memref<10000x128xf32, #tpu.memory_space<hbm>>) target(%arg8 : memref<128x128xf32, #tpu.memory_space<vmem>>) offsets(%dma_start3A_62 : memref<128xi32, #tpu.memory_space<vmem>>) semaphore(%arg11 : memref<!tpu.dma_semaphore, #tpu.memory_space<semaphore_mem>>)
      } else {
      }
      %add3A_48 = arith.constant 1 : i32
      %add3A_49 = arith.addi %mul3A_31, %add3A_48 : i32
      %dma_wait3A_50 = arith.constant 0 : i32
      %dma_wait3A_51 = tpu.memref_slice %arg6[%add3A_49, %dma_wait3A_50] : memref<40x128xi32, #tpu.memory_space<vmem>> -> memref<1x128xi32, #tpu.memory_space<vmem>>
      %dma_wait3A_52 = tpu.memref_squeeze %dma_wait3A_51 : memref<1x128xi32, #tpu.memory_space<vmem>> -> memref<128xi32, #tpu.memory_space<vmem>>
      %dma_wait3A_53 = arith.constant 0 : i32
      %dma_wait3A_54 = arith.constant 0 : i32
      %dma_wait3A_55 = tpu.memref_slice %arg2[%dma_wait3A_53, %dma_wait3A_54] : memref<10000x128xf32, #tpu.memory_space<hbm>> -> memref<10000x128xf32, #tpu.memory_space<hbm>>
      tpu.wait_indirect_dma semaphore(%arg12 : memref<!tpu.dma_semaphore, #tpu.memory_space<semaphore_mem>>) src(%dma_wait3A_55 : memref<10000x128xf32, #tpu.memory_space<hbm>>) dst(%arg9 : memref<128x128xf32, #tpu.memory_space<vmem>>)
      %add3A_56 = arith.constant 1 : i32
      %add3A_57 = arith.addi %mul3A_31, %add3A_56 : i32
      "tpu.region"() ({
        %run_scoped3A_58 = tpu.sem_alloc : memref<!tpu.dma_semaphore, #tpu.memory_space<semaphore_mem>>
        %dma_start3A_59 = arith.constant 0 : i32
        %dma_start3A_60 = tpu.memref_slice %arg7[%add3A_57, %dma_start3A_59] : memref<40x128xi32, #tpu.memory_space<vmem>> -> memref<1x128xi32, #tpu.memory_space<vmem>>
        %dma_start3A_61 = tpu.memref_squeeze %dma_start3A_60 : memref<1x128xi32, #tpu.memory_space<vmem>> -> memref<128xi32, #tpu.memory_space<vmem>>
        %dma_start3A_62 = arith.constant 0 : i32
        %dma_start3A_63 = arith.constant 0 : i32
        %dma_start3A_64 = tpu.memref_slice %arg10[%dma_start3A_62, %dma_start3A_63] : memref<10240x128xf32, #tpu.memory_space<vmem_shared>> -> memref<10240x128xf32, #tpu.memory_space<vmem_shared>>
        tpu.enqueue_indirect_dma source(%arg9 : memref<128x128xf32, #tpu.memory_space<vmem>>) target(%dma_start3A_64 : memref<10240x128xf32, #tpu.memory_space<vmem_shared>>) offsets(%dma_start3A_61 : memref<128xi32, #tpu.memory_space<vmem>>) semaphore(%run_scoped3A_58 : memref<!tpu.dma_semaphore, #tpu.memory_space<semaphore_mem>>) {add = true}
        %dma_wait3A_65 = arith.constant 0 : i32
        %dma_wait3A_66 = tpu.memref_slice %arg7[%add3A_57, %dma_wait3A_65] : memref<40x128xi32, #tpu.memory_space<vmem>> -> memref<1x128xi32, #tpu.memory_space<vmem>>
        %dma_wait3A_67 = tpu.memref_squeeze %dma_wait3A_66 : memref<1x128xi32, #tpu.memory_space<vmem>> -> memref<128xi32, #tpu.memory_space<vmem>>
        %dma_wait3A_68 = arith.constant 0 : i32
        %dma_wait3A_69 = arith.constant 0 : i32
        %dma_wait3A_70 = tpu.memref_slice %arg10[%dma_wait3A_68, %dma_wait3A_69] : memref<10240x128xf32, #tpu.memory_space<vmem_shared>> -> memref<10240x128xf32, #tpu.memory_space<vmem_shared>>
        tpu.wait_indirect_dma semaphore(%run_scoped3A_58 : memref<!tpu.dma_semaphore, #tpu.memory_space<semaphore_mem>>) src(%arg9 : memref<128x128xf32, #tpu.memory_space<vmem>>) dst(%dma_wait3A_70 : memref<10240x128xf32, #tpu.memory_space<vmem_shared>>)
        tpu.yield
      }) : () -> ()
    }
    %scan3A_12 = arith.constant 20 : i32
    %run_scoped3A_13 = arith.constant 0 : i32
    "tpu.region"() ({
      %run_scoped3A_29 = tpu.sem_alloc : memref<!tpu.dma_semaphore, #tpu.memory_space<semaphore_mem>>
      %dma_start3A_30 = arith.constant 40 : i32
      %dma_start3A_31 = arith.constant 0 : i32
      %dma_start3A_32 = tpu.memref_slice %arg3[%run_scoped3A_13, %arg0, %arg1, %dma_start3A_30, %dma_start3A_31] : memref<2x2x16x80x128xi32, #tpu.memory_space<hbm>> -> memref<1x1x1x40x128xi32, #tpu.memory_space<hbm>>
      %dma_start3A_33 = tpu.memref_squeeze %dma_start3A_32 : memref<1x1x1x40x128xi32, #tpu.memory_space<hbm>> -> memref<40x128xi32, #tpu.memory_space<hbm>>
      %dma_start3A_34 = arith.constant 40 : i32
      %dma_start3A_35 = arith.constant 0 : i32
      %dma_start3A_36 = tpu.memref_slice %arg3[%run_scoped3A_13, %arg0, %arg1, %dma_start3A_34, %dma_start3A_35] : memref<2x2x16x80x128xi32, #tpu.memory_space<hbm>> -> memref<1x1x1x40x128xi32, #tpu.memory_space<hbm>>
      %dma_start3A_37 = tpu.memref_squeeze %dma_start3A_36 : memref<1x1x1x40x128xi32, #tpu.memory_space<hbm>> -> memref<40x128xi32, #tpu.memory_space<hbm>>
      tpu.enqueue_dma source(%dma_start3A_37 : memref<40x128xi32, #tpu.memory_space<hbm>>) target(%arg6 : memref<40x128xi32, #tpu.memory_space<vmem>>) target_semaphore(%run_scoped3A_29 : memref<!tpu.dma_semaphore, #tpu.memory_space<semaphore_mem>>)
      %dma_wait3A = arith.constant 40 : i32
      %dma_wait3A_38 = arith.constant 0 : i32
      %dma_wait3A_39 = tpu.memref_slice %arg3[%run_scoped3A_13, %arg0, %arg1, %dma_wait3A, %dma_wait3A_38] : memref<2x2x16x80x128xi32, #tpu.memory_space<hbm>> -> memref<1x1x1x40x128xi32, #tpu.memory_space<hbm>>
      %dma_wait3A_40 = tpu.memref_squeeze %dma_wait3A_39 : memref<1x1x1x40x128xi32, #tpu.memory_space<hbm>> -> memref<40x128xi32, #tpu.memory_space<hbm>>
      %dma_wait3A_41 = arith.constant 40 : i32
      %dma_wait3A_42 = arith.constant 0 : i32
      %dma_wait3A_43 = tpu.memref_slice %arg3[%run_scoped3A_13, %arg0, %arg1, %dma_wait3A_41, %dma_wait3A_42] : memref<2x2x16x80x128xi32, #tpu.memory_space<hbm>> -> memref<1x1x1x40x128xi32, #tpu.memory_space<hbm>>
      %dma_wait3A_44 = tpu.memref_squeeze %dma_wait3A_43 : memref<1x1x1x40x128xi32, #tpu.memory_space<hbm>> -> memref<40x128xi32, #tpu.memory_space<hbm>>
      tpu.wait_dma2 semaphore(%run_scoped3A_29 : memref<!tpu.dma_semaphore, #tpu.memory_space<semaphore_mem>>) src(%dma_wait3A_44 : memref<40x128xi32, #tpu.memory_space<hbm>>) dst(%arg6 : memref<40x128xi32, #tpu.memory_space<vmem>>)
      tpu.yield
    }) : () -> ()
    %run_scoped3A_14 = arith.constant 1 : i32
    "tpu.region"() ({
      %run_scoped3A_29 = tpu.sem_alloc : memref<!tpu.dma_semaphore, #tpu.memory_space<semaphore_mem>>
      %dma_start3A_30 = arith.constant 40 : i32
      %dma_start3A_31 = arith.constant 0 : i32
      %dma_start3A_32 = tpu.memref_slice %arg3[%run_scoped3A_14, %arg0, %arg1, %dma_start3A_30, %dma_start3A_31] : memref<2x2x16x80x128xi32, #tpu.memory_space<hbm>> -> memref<1x1x1x40x128xi32, #tpu.memory_space<hbm>>
      %dma_start3A_33 = tpu.memref_squeeze %dma_start3A_32 : memref<1x1x1x40x128xi32, #tpu.memory_space<hbm>> -> memref<40x128xi32, #tpu.memory_space<hbm>>
      %dma_start3A_34 = arith.constant 40 : i32
      %dma_start3A_35 = arith.constant 0 : i32
      %dma_start3A_36 = tpu.memref_slice %arg3[%run_scoped3A_14, %arg0, %arg1, %dma_start3A_34, %dma_start3A_35] : memref<2x2x16x80x128xi32, #tpu.memory_space<hbm>> -> memref<1x1x1x40x128xi32, #tpu.memory_space<hbm>>
      %dma_start3A_37 = tpu.memref_squeeze %dma_start3A_36 : memref<1x1x1x40x128xi32, #tpu.memory_space<hbm>> -> memref<40x128xi32, #tpu.memory_space<hbm>>
      tpu.enqueue_dma source(%dma_start3A_37 : memref<40x128xi32, #tpu.memory_space<hbm>>) target(%arg7 : memref<40x128xi32, #tpu.memory_space<vmem>>) target_semaphore(%run_scoped3A_29 : memref<!tpu.dma_semaphore, #tpu.memory_space<semaphore_mem>>)
      %dma_wait3A = arith.constant 40 : i32
      %dma_wait3A_38 = arith.constant 0 : i32
      %dma_wait3A_39 = tpu.memref_slice %arg3[%run_scoped3A_14, %arg0, %arg1, %dma_wait3A, %dma_wait3A_38] : memref<2x2x16x80x128xi32, #tpu.memory_space<hbm>> -> memref<1x1x1x40x128xi32, #tpu.memory_space<hbm>>
      %dma_wait3A_40 = tpu.memref_squeeze %dma_wait3A_39 : memref<1x1x1x40x128xi32, #tpu.memory_space<hbm>> -> memref<40x128xi32, #tpu.memory_space<hbm>>
      %dma_wait3A_41 = arith.constant 40 : i32
      %dma_wait3A_42 = arith.constant 0 : i32
      %dma_wait3A_43 = tpu.memref_slice %arg3[%run_scoped3A_14, %arg0, %arg1, %dma_wait3A_41, %dma_wait3A_42] : memref<2x2x16x80x128xi32, #tpu.memory_space<hbm>> -> memref<1x1x1x40x128xi32, #tpu.memory_space<hbm>>
      %dma_wait3A_44 = tpu.memref_squeeze %dma_wait3A_43 : memref<1x1x1x40x128xi32, #tpu.memory_space<hbm>> -> memref<40x128xi32, #tpu.memory_space<hbm>>
      tpu.wait_dma2 semaphore(%run_scoped3A_29 : memref<!tpu.dma_semaphore, #tpu.memory_space<semaphore_mem>>) src(%dma_wait3A_44 : memref<40x128xi32, #tpu.memory_space<hbm>>) dst(%arg7 : memref<40x128xi32, #tpu.memory_space<vmem>>)
      tpu.yield
    }) : () -> ()
    %dma_start3A_15 = arith.constant 0 : i32
    %dma_start3A_16 = arith.constant 0 : i32
    %dma_start3A_17 = tpu.memref_slice %arg6[%dma_start3A_15, %dma_start3A_16] : memref<40x128xi32, #tpu.memory_space<vmem>> -> memref<1x128xi32, #tpu.memory_space<vmem>>
    %dma_start3A_18 = tpu.memref_squeeze %dma_start3A_17 : memref<1x128xi32, #tpu.memory_space<vmem>> -> memref<128xi32, #tpu.memory_space<vmem>>
    %dma_start3A_19 = arith.constant 0 : i32
    %dma_start3A_20 = arith.constant 0 : i32
    %dma_start3A_21 = tpu.memref_slice %arg2[%dma_start3A_19, %dma_start3A_20] : memref<10000x128xf32, #tpu.memory_space<hbm>> -> memref<10000x128xf32, #tpu.memory_space<hbm>>
    tpu.enqueue_indirect_dma source(%dma_start3A_21 : memref<10000x128xf32, #tpu.memory_space<hbm>>) target(%arg8 : memref<128x128xf32, #tpu.memory_space<vmem>>) offsets(%dma_start3A_18 : memref<128xi32, #tpu.memory_space<vmem>>) semaphore(%arg11 : memref<!tpu.dma_semaphore, #tpu.memory_space<semaphore_mem>>)
    %scan3A_22 = arith.constant 0 : i32
    %scan3A_23 = arith.constant 0 : i32
    %scan3A_24 = arith.constant 20 : i32
    %scan3A_25 = arith.addi %scan3A_23, %scan3A_24 : i32
    %scan3A_26 = arith.constant 1 : i32
    scf.for %scan3A_29 = %scan3A_23 to %scan3A_25 step %scan3A_26  : i32 {
      %mul3A_30 = arith.constant 2 : i32
      %mul3A_31 = arith.muli %mul3A_30, %scan3A_29 : i32
      %add3A = arith.constant 1 : i32
      %add3A_32 = arith.addi %mul3A_31, %add3A : i32
      %dma_start3A_33 = arith.constant 0 : i32
      %dma_start3A_34 = tpu.memref_slice %arg6[%add3A_32, %dma_start3A_33] : memref<40x128xi32, #tpu.memory_space<vmem>> -> memref<1x128xi32, #tpu.memory_space<vmem>>
      %dma_start3A_35 = tpu.memref_squeeze %dma_start3A_34 : memref<1x128xi32, #tpu.memory_space<vmem>> -> memref<128xi32, #tpu.memory_space<vmem>>
      %dma_start3A_36 = arith.constant 0 : i32
      %dma_start3A_37 = arith.constant 0 : i32
      %dma_start3A_38 = tpu.memref_slice %arg2[%dma_start3A_36, %dma_start3A_37] : memref<10000x128xf32, #tpu.memory_space<hbm>> -> memref<10000x128xf32, #tpu.memory_space<hbm>>
      tpu.enqueue_indirect_dma source(%dma_start3A_38 : memref<10000x128xf32, #tpu.memory_space<hbm>>) target(%arg9 : memref<128x128xf32, #tpu.memory_space<vmem>>) offsets(%dma_start3A_35 : memref<128xi32, #tpu.memory_space<vmem>>) semaphore(%arg12 : memref<!tpu.dma_semaphore, #tpu.memory_space<semaphore_mem>>)
      %dma_wait3A = arith.constant 0 : i32
      %dma_wait3A_39 = tpu.memref_slice %arg6[%mul3A_31, %dma_wait3A] : memref<40x128xi32, #tpu.memory_space<vmem>> -> memref<1x128xi32, #tpu.memory_space<vmem>>
      %dma_wait3A_40 = tpu.memref_squeeze %dma_wait3A_39 : memref<1x128xi32, #tpu.memory_space<vmem>> -> memref<128xi32, #tpu.memory_space<vmem>>
      %dma_wait3A_41 = arith.constant 0 : i32
      %dma_wait3A_42 = arith.constant 0 : i32
      %dma_wait3A_43 = tpu.memref_slice %arg2[%dma_wait3A_41, %dma_wait3A_42] : memref<10000x128xf32, #tpu.memory_space<hbm>> -> memref<10000x128xf32, #tpu.memory_space<hbm>>
      tpu.wait_indirect_dma semaphore(%arg11 : memref<!tpu.dma_semaphore, #tpu.memory_space<semaphore_mem>>) src(%dma_wait3A_43 : memref<10000x128xf32, #tpu.memory_space<hbm>>) dst(%arg8 : memref<128x128xf32, #tpu.memory_space<vmem>>)
      "tpu.region"() ({
        %run_scoped3A_58 = tpu.sem_alloc : memref<!tpu.dma_semaphore, #tpu.memory_space<semaphore_mem>>
        %dma_start3A_59 = arith.constant 0 : i32
        %dma_start3A_60 = tpu.memref_slice %arg7[%mul3A_31, %dma_start3A_59] : memref<40x128xi32, #tpu.memory_space<vmem>> -> memref<1x128xi32, #tpu.memory_space<vmem>>
        %dma_start3A_61 = tpu.memref_squeeze %dma_start3A_60 : memref<1x128xi32, #tpu.memory_space<vmem>> -> memref<128xi32, #tpu.memory_space<vmem>>
        %dma_start3A_62 = arith.constant 0 : i32
        %dma_start3A_63 = arith.constant 0 : i32
        %dma_start3A_64 = tpu.memref_slice %arg10[%dma_start3A_62, %dma_start3A_63] : memref<10240x128xf32, #tpu.memory_space<vmem_shared>> -> memref<10240x128xf32, #tpu.memory_space<vmem_shared>>
        tpu.enqueue_indirect_dma source(%arg8 : memref<128x128xf32, #tpu.memory_space<vmem>>) target(%dma_start3A_64 : memref<10240x128xf32, #tpu.memory_space<vmem_shared>>) offsets(%dma_start3A_61 : memref<128xi32, #tpu.memory_space<vmem>>) semaphore(%run_scoped3A_58 : memref<!tpu.dma_semaphore, #tpu.memory_space<semaphore_mem>>) {add = true}
        %dma_wait3A_65 = arith.constant 0 : i32
        %dma_wait3A_66 = tpu.memref_slice %arg7[%mul3A_31, %dma_wait3A_65] : memref<40x128xi32, #tpu.memory_space<vmem>> -> memref<1x128xi32, #tpu.memory_space<vmem>>
        %dma_wait3A_67 = tpu.memref_squeeze %dma_wait3A_66 : memref<1x128xi32, #tpu.memory_space<vmem>> -> memref<128xi32, #tpu.memory_space<vmem>>
        %dma_wait3A_68 = arith.constant 0 : i32
        %dma_wait3A_69 = arith.constant 0 : i32
        %dma_wait3A_70 = tpu.memref_slice %arg10[%dma_wait3A_68, %dma_wait3A_69] : memref<10240x128xf32, #tpu.memory_space<vmem_shared>> -> memref<10240x128xf32, #tpu.memory_space<vmem_shared>>
        tpu.wait_indirect_dma semaphore(%run_scoped3A_58 : memref<!tpu.dma_semaphore, #tpu.memory_space<semaphore_mem>>) src(%arg8 : memref<128x128xf32, #tpu.memory_space<vmem>>) dst(%dma_wait3A_70 : memref<10240x128xf32, #tpu.memory_space<vmem_shared>>)
        tpu.yield
      }) : () -> ()
      %add3A_44 = arith.constant 2 : i32
      %add3A_45 = arith.addi %mul3A_31, %add3A_44 : i32
      %lt3A = arith.constant 40 : i32
      %lt3A_46 = arith.cmpi slt, %add3A_45, %lt3A : i32
      %convert_element_type3A = arith.extui %lt3A_46 : i1 to i32
      %cond3A = arith.constant 0 : i32
      %cond3A_47 = arith.cmpi ne, %convert_element_type3A, %cond3A : i32
      scf.if %cond3A_47 {
        %add3A_58 = arith.constant 2 : i32
        %add3A_59 = arith.addi %mul3A_31, %add3A_58 : i32
        %dma_start3A_60 = arith.constant 0 : i32
        %dma_start3A_61 = tpu.memref_slice %arg6[%add3A_59, %dma_start3A_60] : memref<40x128xi32, #tpu.memory_space<vmem>> -> memref<1x128xi32, #tpu.memory_space<vmem>>
        %dma_start3A_62 = tpu.memref_squeeze %dma_start3A_61 : memref<1x128xi32, #tpu.memory_space<vmem>> -> memref<128xi32, #tpu.memory_space<vmem>>
        %dma_start3A_63 = arith.constant 0 : i32
        %dma_start3A_64 = arith.constant 0 : i32
        %dma_start3A_65 = tpu.memref_slice %arg2[%dma_start3A_63, %dma_start3A_64] : memref<10000x128xf32, #tpu.memory_space<hbm>> -> memref<10000x128xf32, #tpu.memory_space<hbm>>
        tpu.enqueue_indirect_dma source(%dma_start3A_65 : memref<10000x128xf32, #tpu.memory_space<hbm>>) target(%arg8 : memref<128x128xf32, #tpu.memory_space<vmem>>) offsets(%dma_start3A_62 : memref<128xi32, #tpu.memory_space<vmem>>) semaphore(%arg11 : memref<!tpu.dma_semaphore, #tpu.memory_space<semaphore_mem>>)
      } else {
      }
      %add3A_48 = arith.constant 1 : i32
      %add3A_49 = arith.addi %mul3A_31, %add3A_48 : i32
      %dma_wait3A_50 = arith.constant 0 : i32
      %dma_wait3A_51 = tpu.memref_slice %arg6[%add3A_49, %dma_wait3A_50] : memref<40x128xi32, #tpu.memory_space<vmem>> -> memref<1x128xi32, #tpu.memory_space<vmem>>
      %dma_wait3A_52 = tpu.memref_squeeze %dma_wait3A_51 : memref<1x128xi32, #tpu.memory_space<vmem>> -> memref<128xi32, #tpu.memory_space<vmem>>
      %dma_wait3A_53 = arith.constant 0 : i32
      %dma_wait3A_54 = arith.constant 0 : i32
      %dma_wait3A_55 = tpu.memref_slice %arg2[%dma_wait3A_53, %dma_wait3A_54] : memref<10000x128xf32, #tpu.memory_space<hbm>> -> memref<10000x128xf32, #tpu.memory_space<hbm>>
      tpu.wait_indirect_dma semaphore(%arg12 : memref<!tpu.dma_semaphore, #tpu.memory_space<semaphore_mem>>) src(%dma_wait3A_55 : memref<10000x128xf32, #tpu.memory_space<hbm>>) dst(%arg9 : memref<128x128xf32, #tpu.memory_space<vmem>>)
      %add3A_56 = arith.constant 1 : i32
      %add3A_57 = arith.addi %mul3A_31, %add3A_56 : i32
      "tpu.region"() ({
        %run_scoped3A_58 = tpu.sem_alloc : memref<!tpu.dma_semaphore, #tpu.memory_space<semaphore_mem>>
        %dma_start3A_59 = arith.constant 0 : i32
        %dma_start3A_60 = tpu.memref_slice %arg7[%add3A_57, %dma_start3A_59] : memref<40x128xi32, #tpu.memory_space<vmem>> -> memref<1x128xi32, #tpu.memory_space<vmem>>
        %dma_start3A_61 = tpu.memref_squeeze %dma_start3A_60 : memref<1x128xi32, #tpu.memory_space<vmem>> -> memref<128xi32, #tpu.memory_space<vmem>>
        %dma_start3A_62 = arith.constant 0 : i32
        %dma_start3A_63 = arith.constant 0 : i32
        %dma_start3A_64 = tpu.memref_slice %arg10[%dma_start3A_62, %dma_start3A_63] : memref<10240x128xf32, #tpu.memory_space<vmem_shared>> -> memref<10240x128xf32, #tpu.memory_space<vmem_shared>>
        tpu.enqueue_indirect_dma source(%arg9 : memref<128x128xf32, #tpu.memory_space<vmem>>) target(%dma_start3A_64 : memref<10240x128xf32, #tpu.memory_space<vmem_shared>>) offsets(%dma_start3A_61 : memref<128xi32, #tpu.memory_space<vmem>>) semaphore(%run_scoped3A_58 : memref<!tpu.dma_semaphore, #tpu.memory_space<semaphore_mem>>) {add = true}
        %dma_wait3A_65 = arith.constant 0 : i32
        %dma_wait3A_66 = tpu.memref_slice %arg7[%add3A_57, %dma_wait3A_65] : memref<40x128xi32, #tpu.memory_space<vmem>> -> memref<1x128xi32, #tpu.memory_space<vmem>>
        %dma_wait3A_67 = tpu.memref_squeeze %dma_wait3A_66 : memref<1x128xi32, #tpu.memory_space<vmem>> -> memref<128xi32, #tpu.memory_space<vmem>>
        %dma_wait3A_68 = arith.constant 0 : i32
        %dma_wait3A_69 = arith.constant 0 : i32
        %dma_wait3A_70 = tpu.memref_slice %arg10[%dma_wait3A_68, %dma_wait3A_69] : memref<10240x128xf32, #tpu.memory_space<vmem_shared>> -> memref<10240x128xf32, #tpu.memory_space<vmem_shared>>
        tpu.wait_indirect_dma semaphore(%run_scoped3A_58 : memref<!tpu.dma_semaphore, #tpu.memory_space<semaphore_mem>>) src(%arg9 : memref<128x128xf32, #tpu.memory_space<vmem>>) dst(%dma_wait3A_70 : memref<10240x128xf32, #tpu.memory_space<vmem_shared>>)
        tpu.yield
      }) : () -> ()
    }
    %scan3A_27 = arith.constant 20 : i32
    %barrier3A_28 = arith.constant 0 : index
    tpu.barrier barrier_id(%barrier3A_28)
    "tpu.region"() ({
      %run_scoped3A_29 = tpu.sem_alloc : memref<!tpu.dma_semaphore, #tpu.memory_space<semaphore_mem>>
      %dma_start3A_30 = arith.constant 0 : i32
      %dma_start3A_31 = tpu.memref_slice %arg5[%arg0, %mul3A_0, %dma_start3A_30] : memref<2x10240x128xf32, #tpu.memory_space<hbm>> -> memref<1x640x128xf32, #tpu.memory_space<hbm>>
      %dma_start3A_32 = tpu.memref_squeeze %dma_start3A_31 : memref<1x640x128xf32, #tpu.memory_space<hbm>> -> memref<640x128xf32, #tpu.memory_space<hbm>>
      %dma_start3A_33 = arith.constant 0 : i32
      %dma_start3A_34 = tpu.memref_slice %arg10[%mul3A_0, %dma_start3A_33] : memref<10240x128xf32, #tpu.memory_space<vmem_shared>> -> memref<640x128xf32, #tpu.memory_space<vmem_shared>>
      tpu.enqueue_dma source(%dma_start3A_34 : memref<640x128xf32, #tpu.memory_space<vmem_shared>>) target(%dma_start3A_32 : memref<640x128xf32, #tpu.memory_space<hbm>>) target_semaphore(%run_scoped3A_29 : memref<!tpu.dma_semaphore, #tpu.memory_space<semaphore_mem>>)
      %dma_wait3A = arith.constant 0 : i32
      %dma_wait3A_35 = tpu.memref_slice %arg5[%arg0, %mul3A_0, %dma_wait3A] : memref<2x10240x128xf32, #tpu.memory_space<hbm>> -> memref<1x640x128xf32, #tpu.memory_space<hbm>>
      %dma_wait3A_36 = tpu.memref_squeeze %dma_wait3A_35 : memref<1x640x128xf32, #tpu.memory_space<hbm>> -> memref<640x128xf32, #tpu.memory_space<hbm>>
      %dma_wait3A_37 = arith.constant 0 : i32
      %dma_wait3A_38 = tpu.memref_slice %arg10[%mul3A_0, %dma_wait3A_37] : memref<10240x128xf32, #tpu.memory_space<vmem_shared>> -> memref<640x128xf32, #tpu.memory_space<vmem_shared>>
      tpu.wait_dma2 semaphore(%run_scoped3A_29 : memref<!tpu.dma_semaphore, #tpu.memory_space<semaphore_mem>>) src(%dma_wait3A_38 : memref<640x128xf32, #tpu.memory_space<vmem_shared>>) dst(%dma_wait3A_36 : memref<640x128xf32, #tpu.memory_space<hbm>>)
      tpu.yield
    }) : () -> ()
    return
  }
}

#map = affine_map<(d0, d1) -> (0, 0)>
#map1 = affine_map<(d0, d1) -> (0, 0, 0, 0, 0)>
#map2 = affine_map<(d0, d1) -> (0, 0, 0)>
module attributes {stable_mosaic.version = 14 : i64} {
  func.func @_sc_aggregate(%arg0: i32, %arg1: i32, %arg2: memref<10000x128xf32, #tpu.memory_space<hbm>>, %arg3: memref<2x2x16x80x128xi32, #tpu.memory_space<hbm>>, %arg4: memref<10240x128xf32, #tpu.memory_space<hbm>>, %arg5: memref<2x10240x128xf32, #tpu.memory_space<hbm>>, %arg6: memref<40x128xi32, #tpu.memory_space<vmem>>, %arg7: memref<40x128xi32, #tpu.memory_space<vmem>>, %arg8: memref<128x128xf32, #tpu.memory_space<vmem>>, %arg9: memref<128x128xf32, #tpu.memory_space<vmem>>, %arg10: memref<10240x128xf32, #tpu.memory_space<vmem_shared>>, %arg11: memref<!tpu.dma_semaphore, #tpu.memory_space<semaphore_mem>>, %arg12: memref<!tpu.dma_semaphore, #tpu.memory_space<semaphore_mem>>) attributes {dimension_semantics = [#tpu.dimension_semantics<core_parallel>, #tpu.dimension_semantics<subcore_parallel>], iteration_bounds = array<i64: 2, 16>, scalar_prefetch = 0 : i64, scratch_operands = 7 : i64, tpu.core_type = #tpu.core_type<sc_vector_subcore>, window_params = [{transform_indices = #map}, {transform_indices = #map1}, {transform_indices = #map}, {transform_indices = #map2}]} {
    %mul3A = arith.constant 640 : i32
    %mul3A_0 = arith.muli %arg1, %mul3A : i32
    "tpu.region"() ({
      %run_scoped3A_29 = tpu.sem_alloc : memref<!tpu.dma_semaphore, #tpu.memory_space<semaphore_mem>>
      %dma_start3A_30 = arith.constant 0 : i32
      %dma_start3A_31 = tpu.memref_slice %arg10[%mul3A_0, %dma_start3A_30] : memref<10240x128xf32, #tpu.memory_space<vmem_shared>> -> memref<640x128xf32, #tpu.memory_space<vmem_shared>>
      %dma_start3A_32 = arith.constant 0 : i32
      %dma_start3A_33 = tpu.memref_slice %arg4[%mul3A_0, %dma_start3A_32] : memref<10240x128xf32, #tpu.memory_space<hbm>> -> memref<640x128xf32, #tpu.memory_space<hbm>>
      tpu.enqueue_dma source(%dma_start3A_33 : memref<640x128xf32, #tpu.memory_space<hbm>>) target(%dma_start3A_31 : memref<640x128xf32, #tpu.memory_space<vmem_shared>>) target_semaphore(%run_scoped3A_29 : memref<!tpu.dma_semaphore, #tpu.memory_space<semaphore_mem>>)
      %dma_wait3A = arith.constant 0 : i32
      %dma_wait3A_34 = tpu.memref_slice %arg10[%mul3A_0, %dma_wait3A] : memref<10240x128xf32, #tpu.memory_space<vmem_shared>> -> memref<640x128xf32, #tpu.memory_space<vmem_shared>>
      %dma_wait3A_35 = arith.constant 0 : i32
      %dma_wait3A_36 = tpu.memref_slice %arg4[%mul3A_0, %dma_wait3A_35] : memref<10240x128xf32, #tpu.memory_space<hbm>> -> memref<640x128xf32, #tpu.memory_space<hbm>>
      tpu.wait_dma2 semaphore(%run_scoped3A_29 : memref<!tpu.dma_semaphore, #tpu.memory_space<semaphore_mem>>) src(%dma_wait3A_36 : memref<640x128xf32, #tpu.memory_space<hbm>>) dst(%dma_wait3A_34 : memref<640x128xf32, #tpu.memory_space<vmem_shared>>)
      tpu.yield
    }) : () -> ()
    %barrier3A = arith.constant 0 : index
    tpu.barrier barrier_id(%barrier3A)
    %run_scoped3A = arith.constant 0 : i32
    "tpu.region"() ({
      %run_scoped3A_29 = tpu.sem_alloc : memref<!tpu.dma_semaphore, #tpu.memory_space<semaphore_mem>>
      %dma_start3A_30 = arith.constant 0 : i32
      %dma_start3A_31 = arith.constant 0 : i32
      %dma_start3A_32 = tpu.memref_slice %arg3[%run_scoped3A, %arg0, %arg1, %dma_start3A_30, %dma_start3A_31] : memref<2x2x16x80x128xi32, #tpu.memory_space<hbm>> -> memref<1x1x1x40x128xi32, #tpu.memory_space<hbm>>
      %dma_start3A_33 = tpu.memref_squeeze %dma_start3A_32 : memref<1x1x1x40x128xi32, #tpu.memory_space<hbm>> -> memref<40x128xi32, #tpu.memory_space<hbm>>
      %dma_start3A_34 = arith.constant 0 : i32
      %dma_start3A_35 = arith.constant 0 : i32
      %dma_start3A_36 = tpu.memref_slice %arg3[%run_scoped3A, %arg0, %arg1, %dma_start3A_34, %dma_start3A_35] : memref<2x2x16x80x128xi32, #tpu.memory_space<hbm>> -> memref<1x1x1x40x128xi32, #tpu.memory_space<hbm>>
      %dma_start3A_37 = tpu.memref_squeeze %dma_start3A_36 : memref<1x1x1x40x128xi32, #tpu.memory_space<hbm>> -> memref<40x128xi32, #tpu.memory_space<hbm>>
      tpu.enqueue_dma source(%dma_start3A_37 : memref<40x128xi32, #tpu.memory_space<hbm>>) target(%arg6 : memref<40x128xi32, #tpu.memory_space<vmem>>) target_semaphore(%run_scoped3A_29 : memref<!tpu.dma_semaphore, #tpu.memory_space<semaphore_mem>>)
      %dma_wait3A = arith.constant 0 : i32
      %dma_wait3A_38 = arith.constant 0 : i32
      %dma_wait3A_39 = tpu.memref_slice %arg3[%run_scoped3A, %arg0, %arg1, %dma_wait3A, %dma_wait3A_38] : memref<2x2x16x80x128xi32, #tpu.memory_space<hbm>> -> memref<1x1x1x40x128xi32, #tpu.memory_space<hbm>>
      %dma_wait3A_40 = tpu.memref_squeeze %dma_wait3A_39 : memref<1x1x1x40x128xi32, #tpu.memory_space<hbm>> -> memref<40x128xi32, #tpu.memory_space<hbm>>
      %dma_wait3A_41 = arith.constant 0 : i32
      %dma_wait3A_42 = arith.constant 0 : i32
      %dma_wait3A_43 = tpu.memref_slice %arg3[%run_scoped3A, %arg0, %arg1, %dma_wait3A_41, %dma_wait3A_42] : memref<2x2x16x80x128xi32, #tpu.memory_space<hbm>> -> memref<1x1x1x40x128xi32, #tpu.memory_space<hbm>>
      %dma_wait3A_44 = tpu.memref_squeeze %dma_wait3A_43 : memref<1x1x1x40x128xi32, #tpu.memory_space<hbm>> -> memref<40x128xi32, #tpu.memory_space<hbm>>
      tpu.wait_dma2 semaphore(%run_scoped3A_29 : memref<!tpu.dma_semaphore, #tpu.memory_space<semaphore_mem>>) src(%dma_wait3A_44 : memref<40x128xi32, #tpu.memory_space<hbm>>) dst(%arg6 : memref<40x128xi32, #tpu.memory_space<vmem>>)
      tpu.yield
    }) : () -> ()
    %run_scoped3A_1 = arith.constant 1 : i32
    "tpu.region"() ({
      %run_scoped3A_29 = tpu.sem_alloc : memref<!tpu.dma_semaphore, #tpu.memory_space<semaphore_mem>>
      %dma_start3A_30 = arith.constant 0 : i32
      %dma_start3A_31 = arith.constant 0 : i32
      %dma_start3A_32 = tpu.memref_slice %arg3[%run_scoped3A_1, %arg0, %arg1, %dma_start3A_30, %dma_start3A_31] : memref<2x2x16x80x128xi32, #tpu.memory_space<hbm>> -> memref<1x1x1x40x128xi32, #tpu.memory_space<hbm>>
      %dma_start3A_33 = tpu.memref_squeeze %dma_start3A_32 : memref<1x1x1x40x128xi32, #tpu.memory_space<hbm>> -> memref<40x128xi32, #tpu.memory_space<hbm>>
      %dma_start3A_34 = arith.constant 0 : i32
      %dma_start3A_35 = arith.constant 0 : i32
      %dma_start3A_36 = tpu.memref_slice %arg3[%run_scoped3A_1, %arg0, %arg1, %dma_start3A_34, %dma_start3A_35] : memref<2x2x16x80x128xi32, #tpu.memory_space<hbm>> -> memref<1x1x1x40x128xi32, #tpu.memory_space<hbm>>
      %dma_start3A_37 = tpu.memref_squeeze %dma_start3A_36 : memref<1x1x1x40x128xi32, #tpu.memory_space<hbm>> -> memref<40x128xi32, #tpu.memory_space<hbm>>
      tpu.enqueue_dma source(%dma_start3A_37 : memref<40x128xi32, #tpu.memory_space<hbm>>) target(%arg7 : memref<40x128xi32, #tpu.memory_space<vmem>>) target_semaphore(%run_scoped3A_29 : memref<!tpu.dma_semaphore, #tpu.memory_space<semaphore_mem>>)
      %dma_wait3A = arith.constant 0 : i32
      %dma_wait3A_38 = arith.constant 0 : i32
      %dma_wait3A_39 = tpu.memref_slice %arg3[%run_scoped3A_1, %arg0, %arg1, %dma_wait3A, %dma_wait3A_38] : memref<2x2x16x80x128xi32, #tpu.memory_space<hbm>> -> memref<1x1x1x40x128xi32, #tpu.memory_space<hbm>>
      %dma_wait3A_40 = tpu.memref_squeeze %dma_wait3A_39 : memref<1x1x1x40x128xi32, #tpu.memory_space<hbm>> -> memref<40x128xi32, #tpu.memory_space<hbm>>
      %dma_wait3A_41 = arith.constant 0 : i32
      %dma_wait3A_42 = arith.constant 0 : i32
      %dma_wait3A_43 = tpu.memref_slice %arg3[%run_scoped3A_1, %arg0, %arg1, %dma_wait3A_41, %dma_wait3A_42] : memref<2x2x16x80x128xi32, #tpu.memory_space<hbm>> -> memref<1x1x1x40x128xi32, #tpu.memory_space<hbm>>
      %dma_wait3A_44 = tpu.memref_squeeze %dma_wait3A_43 : memref<1x1x1x40x128xi32, #tpu.memory_space<hbm>> -> memref<40x128xi32, #tpu.memory_space<hbm>>
      tpu.wait_dma2 semaphore(%run_scoped3A_29 : memref<!tpu.dma_semaphore, #tpu.memory_space<semaphore_mem>>) src(%dma_wait3A_44 : memref<40x128xi32, #tpu.memory_space<hbm>>) dst(%arg7 : memref<40x128xi32, #tpu.memory_space<vmem>>)
      tpu.yield
    }) : () -> ()
    %dma_start3A = arith.constant 0 : i32
    %dma_start3A_2 = arith.constant 0 : i32
    %dma_start3A_3 = tpu.memref_slice %arg6[%dma_start3A, %dma_start3A_2] : memref<40x128xi32, #tpu.memory_space<vmem>> -> memref<1x128xi32, #tpu.memory_space<vmem>>
    %dma_start3A_4 = tpu.memref_squeeze %dma_start3A_3 : memref<1x128xi32, #tpu.memory_space<vmem>> -> memref<128xi32, #tpu.memory_space<vmem>>
    %dma_start3A_5 = arith.constant 0 : i32
    %dma_start3A_6 = arith.constant 0 : i32
    %dma_start3A_7 = tpu.memref_slice %arg2[%dma_start3A_5, %dma_start3A_6] : memref<10000x128xf32, #tpu.memory_space<hbm>> -> memref<10000x128xf32, #tpu.memory_space<hbm>>
    tpu.enqueue_indirect_dma source(%dma_start3A_7 : memref<10000x128xf32, #tpu.memory_space<hbm>>) target(%arg8 : memref<128x128xf32, #tpu.memory_space<vmem>>) offsets(%dma_start3A_4 : memref<128xi32, #tpu.memory_space<vmem>>) semaphore(%arg11 : memref<!tpu.dma_semaphore, #tpu.memory_space<semaphore_mem>>)
    %scan3A = arith.constant 0 : i32
    %scan3A_8 = arith.constant 0 : i32
    %scan3A_9 = arith.constant 20 : i32
    %scan3A_10 = arith.addi %scan3A_8, %scan3A_9 : i32
    %scan3A_11 = arith.constant 1 : i32
    scf.for %scan3A_29 = %scan3A_8 to %scan3A_10 step %scan3A_11  : i32 {
      %mul3A_30 = arith.constant 2 : i32
      %mul3A_31 = arith.muli %mul3A_30, %scan3A_29 : i32
      %add3A = arith.constant 1 : i32
      %add3A_32 = arith.addi %mul3A_31, %add3A : i32
      %dma_start3A_33 = arith.constant 0 : i32
      %dma_start3A_34 = tpu.memref_slice %arg6[%add3A_32, %dma_start3A_33] : memref<40x128xi32, #tpu.memory_space<vmem>> -> memref<1x128xi32, #tpu.memory_space<vmem>>
      %dma_start3A_35 = tpu.memref_squeeze %dma_start3A_34 : memref<1x128xi32, #tpu.memory_space<vmem>> -> memref<128xi32, #tpu.memory_space<vmem>>
      %dma_start3A_36 = arith.constant 0 : i32
      %dma_start3A_37 = arith.constant 0 : i32
      %dma_start3A_38 = tpu.memref_slice %arg2[%dma_start3A_36, %dma_start3A_37] : memref<10000x128xf32, #tpu.memory_space<hbm>> -> memref<10000x128xf32, #tpu.memory_space<hbm>>
      tpu.enqueue_indirect_dma source(%dma_start3A_38 : memref<10000x128xf32, #tpu.memory_space<hbm>>) target(%arg9 : memref<128x128xf32, #tpu.memory_space<vmem>>) offsets(%dma_start3A_35 : memref<128xi32, #tpu.memory_space<vmem>>) semaphore(%arg12 : memref<!tpu.dma_semaphore, #tpu.memory_space<semaphore_mem>>)
      %dma_wait3A = arith.constant 0 : i32
      %dma_wait3A_39 = tpu.memref_slice %arg6[%mul3A_31, %dma_wait3A] : memref<40x128xi32, #tpu.memory_space<vmem>> -> memref<1x128xi32, #tpu.memory_space<vmem>>
      %dma_wait3A_40 = tpu.memref_squeeze %dma_wait3A_39 : memref<1x128xi32, #tpu.memory_space<vmem>> -> memref<128xi32, #tpu.memory_space<vmem>>
      %dma_wait3A_41 = arith.constant 0 : i32
      %dma_wait3A_42 = arith.constant 0 : i32
      %dma_wait3A_43 = tpu.memref_slice %arg2[%dma_wait3A_41, %dma_wait3A_42] : memref<10000x128xf32, #tpu.memory_space<hbm>> -> memref<10000x128xf32, #tpu.memory_space<hbm>>
      tpu.wait_indirect_dma semaphore(%arg11 : memref<!tpu.dma_semaphore, #tpu.memory_space<semaphore_mem>>) src(%dma_wait3A_43 : memref<10000x128xf32, #tpu.memory_space<hbm>>) dst(%arg8 : memref<128x128xf32, #tpu.memory_space<vmem>>)
      "tpu.region"() ({
        %run_scoped3A_58 = tpu.sem_alloc : memref<!tpu.dma_semaphore, #tpu.memory_space<semaphore_mem>>
        %dma_start3A_59 = arith.constant 0 : i32
        %dma_start3A_60 = tpu.memref_slice %arg7[%mul3A_31, %dma_start3A_59] : memref<40x128xi32, #tpu.memory_space<vmem>> -> memref<1x128xi32, #tpu.memory_space<vmem>>
        %dma_start3A_61 = tpu.memref_squeeze %dma_start3A_60 : memref<1x128xi32, #tpu.memory_space<vmem>> -> memref<128xi32, #tpu.memory_space<vmem>>
        %dma_start3A_62 = arith.constant 0 : i32
        %dma_start3A_63 = arith.constant 0 : i32
        %dma_start3A_64 = tpu.memref_slice %arg10[%dma_start3A_62, %dma_start3A_63] : memref<10240x128xf32, #tpu.memory_space<vmem_shared>> -> memref<10240x128xf32, #tpu.memory_space<vmem_shared>>
        tpu.enqueue_indirect_dma source(%arg8 : memref<128x128xf32, #tpu.memory_space<vmem>>) target(%dma_start3A_64 : memref<10240x128xf32, #tpu.memory_space<vmem_shared>>) offsets(%dma_start3A_61 : memref<128xi32, #tpu.memory_space<vmem>>) semaphore(%run_scoped3A_58 : memref<!tpu.dma_semaphore, #tpu.memory_space<semaphore_mem>>) {add = true}
        %dma_wait3A_65 = arith.constant 0 : i32
        %dma_wait3A_66 = tpu.memref_slice %arg7[%mul3A_31, %dma_wait3A_65] : memref<40x128xi32, #tpu.memory_space<vmem>> -> memref<1x128xi32, #tpu.memory_space<vmem>>
        %dma_wait3A_67 = tpu.memref_squeeze %dma_wait3A_66 : memref<1x128xi32, #tpu.memory_space<vmem>> -> memref<128xi32, #tpu.memory_space<vmem>>
        %dma_wait3A_68 = arith.constant 0 : i32
        %dma_wait3A_69 = arith.constant 0 : i32
        %dma_wait3A_70 = tpu.memref_slice %arg10[%dma_wait3A_68, %dma_wait3A_69] : memref<10240x128xf32, #tpu.memory_space<vmem_shared>> -> memref<10240x128xf32, #tpu.memory_space<vmem_shared>>
        tpu.wait_indirect_dma semaphore(%run_scoped3A_58 : memref<!tpu.dma_semaphore, #tpu.memory_space<semaphore_mem>>) src(%arg8 : memref<128x128xf32, #tpu.memory_space<vmem>>) dst(%dma_wait3A_70 : memref<10240x128xf32, #tpu.memory_space<vmem_shared>>)
        tpu.yield
      }) : () -> ()
      %add3A_44 = arith.constant 2 : i32
      %add3A_45 = arith.addi %mul3A_31, %add3A_44 : i32
      %lt3A = arith.constant 40 : i32
      %lt3A_46 = arith.cmpi slt, %add3A_45, %lt3A : i32
      %convert_element_type3A = arith.extui %lt3A_46 : i1 to i32
      %cond3A = arith.constant 0 : i32
      %cond3A_47 = arith.cmpi ne, %convert_element_type3A, %cond3A : i32
      scf.if %cond3A_47 {
        %add3A_58 = arith.constant 2 : i32
        %add3A_59 = arith.addi %mul3A_31, %add3A_58 : i32
        %dma_start3A_60 = arith.constant 0 : i32
        %dma_start3A_61 = tpu.memref_slice %arg6[%add3A_59, %dma_start3A_60] : memref<40x128xi32, #tpu.memory_space<vmem>> -> memref<1x128xi32, #tpu.memory_space<vmem>>
        %dma_start3A_62 = tpu.memref_squeeze %dma_start3A_61 : memref<1x128xi32, #tpu.memory_space<vmem>> -> memref<128xi32, #tpu.memory_space<vmem>>
        %dma_start3A_63 = arith.constant 0 : i32
        %dma_start3A_64 = arith.constant 0 : i32
        %dma_start3A_65 = tpu.memref_slice %arg2[%dma_start3A_63, %dma_start3A_64] : memref<10000x128xf32, #tpu.memory_space<hbm>> -> memref<10000x128xf32, #tpu.memory_space<hbm>>
        tpu.enqueue_indirect_dma source(%dma_start3A_65 : memref<10000x128xf32, #tpu.memory_space<hbm>>) target(%arg8 : memref<128x128xf32, #tpu.memory_space<vmem>>) offsets(%dma_start3A_62 : memref<128xi32, #tpu.memory_space<vmem>>) semaphore(%arg11 : memref<!tpu.dma_semaphore, #tpu.memory_space<semaphore_mem>>)
      } else {
      }
      %add3A_48 = arith.constant 1 : i32
      %add3A_49 = arith.addi %mul3A_31, %add3A_48 : i32
      %dma_wait3A_50 = arith.constant 0 : i32
      %dma_wait3A_51 = tpu.memref_slice %arg6[%add3A_49, %dma_wait3A_50] : memref<40x128xi32, #tpu.memory_space<vmem>> -> memref<1x128xi32, #tpu.memory_space<vmem>>
      %dma_wait3A_52 = tpu.memref_squeeze %dma_wait3A_51 : memref<1x128xi32, #tpu.memory_space<vmem>> -> memref<128xi32, #tpu.memory_space<vmem>>
      %dma_wait3A_53 = arith.constant 0 : i32
      %dma_wait3A_54 = arith.constant 0 : i32
      %dma_wait3A_55 = tpu.memref_slice %arg2[%dma_wait3A_53, %dma_wait3A_54] : memref<10000x128xf32, #tpu.memory_space<hbm>> -> memref<10000x128xf32, #tpu.memory_space<hbm>>
      tpu.wait_indirect_dma semaphore(%arg12 : memref<!tpu.dma_semaphore, #tpu.memory_space<semaphore_mem>>) src(%dma_wait3A_55 : memref<10000x128xf32, #tpu.memory_space<hbm>>) dst(%arg9 : memref<128x128xf32, #tpu.memory_space<vmem>>)
      %add3A_56 = arith.constant 1 : i32
      %add3A_57 = arith.addi %mul3A_31, %add3A_56 : i32
      "tpu.region"() ({
        %run_scoped3A_58 = tpu.sem_alloc : memref<!tpu.dma_semaphore, #tpu.memory_space<semaphore_mem>>
        %dma_start3A_59 = arith.constant 0 : i32
        %dma_start3A_60 = tpu.memref_slice %arg7[%add3A_57, %dma_start3A_59] : memref<40x128xi32, #tpu.memory_space<vmem>> -> memref<1x128xi32, #tpu.memory_space<vmem>>
        %dma_start3A_61 = tpu.memref_squeeze %dma_start3A_60 : memref<1x128xi32, #tpu.memory_space<vmem>> -> memref<128xi32, #tpu.memory_space<vmem>>
        %dma_start3A_62 = arith.constant 0 : i32
        %dma_start3A_63 = arith.constant 0 : i32
        %dma_start3A_64 = tpu.memref_slice %arg10[%dma_start3A_62, %dma_start3A_63] : memref<10240x128xf32, #tpu.memory_space<vmem_shared>> -> memref<10240x128xf32, #tpu.memory_space<vmem_shared>>
        tpu.enqueue_indirect_dma source(%arg9 : memref<128x128xf32, #tpu.memory_space<vmem>>) target(%dma_start3A_64 : memref<10240x128xf32, #tpu.memory_space<vmem_shared>>) offsets(%dma_start3A_61 : memref<128xi32, #tpu.memory_space<vmem>>) semaphore(%run_scoped3A_58 : memref<!tpu.dma_semaphore, #tpu.memory_space<semaphore_mem>>) {add = true}
        %dma_wait3A_65 = arith.constant 0 : i32
        %dma_wait3A_66 = tpu.memref_slice %arg7[%add3A_57, %dma_wait3A_65] : memref<40x128xi32, #tpu.memory_space<vmem>> -> memref<1x128xi32, #tpu.memory_space<vmem>>
        %dma_wait3A_67 = tpu.memref_squeeze %dma_wait3A_66 : memref<1x128xi32, #tpu.memory_space<vmem>> -> memref<128xi32, #tpu.memory_space<vmem>>
        %dma_wait3A_68 = arith.constant 0 : i32
        %dma_wait3A_69 = arith.constant 0 : i32
        %dma_wait3A_70 = tpu.memref_slice %arg10[%dma_wait3A_68, %dma_wait3A_69] : memref<10240x128xf32, #tpu.memory_space<vmem_shared>> -> memref<10240x128xf32, #tpu.memory_space<vmem_shared>>
        tpu.wait_indirect_dma semaphore(%run_scoped3A_58 : memref<!tpu.dma_semaphore, #tpu.memory_space<semaphore_mem>>) src(%arg9 : memref<128x128xf32, #tpu.memory_space<vmem>>) dst(%dma_wait3A_70 : memref<10240x128xf32, #tpu.memory_space<vmem_shared>>)
        tpu.yield
      }) : () -> ()
    }
    %scan3A_12 = arith.constant 20 : i32
    %run_scoped3A_13 = arith.constant 0 : i32
    "tpu.region"() ({
      %run_scoped3A_29 = tpu.sem_alloc : memref<!tpu.dma_semaphore, #tpu.memory_space<semaphore_mem>>
      %dma_start3A_30 = arith.constant 40 : i32
      %dma_start3A_31 = arith.constant 0 : i32
      %dma_start3A_32 = tpu.memref_slice %arg3[%run_scoped3A_13, %arg0, %arg1, %dma_start3A_30, %dma_start3A_31] : memref<2x2x16x80x128xi32, #tpu.memory_space<hbm>> -> memref<1x1x1x40x128xi32, #tpu.memory_space<hbm>>
      %dma_start3A_33 = tpu.memref_squeeze %dma_start3A_32 : memref<1x1x1x40x128xi32, #tpu.memory_space<hbm>> -> memref<40x128xi32, #tpu.memory_space<hbm>>
      %dma_start3A_34 = arith.constant 40 : i32
      %dma_start3A_35 = arith.constant 0 : i32
      %dma_start3A_36 = tpu.memref_slice %arg3[%run_scoped3A_13, %arg0, %arg1, %dma_start3A_34, %dma_start3A_35] : memref<2x2x16x80x128xi32, #tpu.memory_space<hbm>> -> memref<1x1x1x40x128xi32, #tpu.memory_space<hbm>>
      %dma_start3A_37 = tpu.memref_squeeze %dma_start3A_36 : memref<1x1x1x40x128xi32, #tpu.memory_space<hbm>> -> memref<40x128xi32, #tpu.memory_space<hbm>>
      tpu.enqueue_dma source(%dma_start3A_37 : memref<40x128xi32, #tpu.memory_space<hbm>>) target(%arg6 : memref<40x128xi32, #tpu.memory_space<vmem>>) target_semaphore(%run_scoped3A_29 : memref<!tpu.dma_semaphore, #tpu.memory_space<semaphore_mem>>)
      %dma_wait3A = arith.constant 40 : i32
      %dma_wait3A_38 = arith.constant 0 : i32
      %dma_wait3A_39 = tpu.memref_slice %arg3[%run_scoped3A_13, %arg0, %arg1, %dma_wait3A, %dma_wait3A_38] : memref<2x2x16x80x128xi32, #tpu.memory_space<hbm>> -> memref<1x1x1x40x128xi32, #tpu.memory_space<hbm>>
      %dma_wait3A_40 = tpu.memref_squeeze %dma_wait3A_39 : memref<1x1x1x40x128xi32, #tpu.memory_space<hbm>> -> memref<40x128xi32, #tpu.memory_space<hbm>>
      %dma_wait3A_41 = arith.constant 40 : i32
      %dma_wait3A_42 = arith.constant 0 : i32
      %dma_wait3A_43 = tpu.memref_slice %arg3[%run_scoped3A_13, %arg0, %arg1, %dma_wait3A_41, %dma_wait3A_42] : memref<2x2x16x80x128xi32, #tpu.memory_space<hbm>> -> memref<1x1x1x40x128xi32, #tpu.memory_space<hbm>>
      %dma_wait3A_44 = tpu.memref_squeeze %dma_wait3A_43 : memref<1x1x1x40x128xi32, #tpu.memory_space<hbm>> -> memref<40x128xi32, #tpu.memory_space<hbm>>
      tpu.wait_dma2 semaphore(%run_scoped3A_29 : memref<!tpu.dma_semaphore, #tpu.memory_space<semaphore_mem>>) src(%dma_wait3A_44 : memref<40x128xi32, #tpu.memory_space<hbm>>) dst(%arg6 : memref<40x128xi32, #tpu.memory_space<vmem>>)
      tpu.yield
    }) : () -> ()
    %run_scoped3A_14 = arith.constant 1 : i32
    "tpu.region"() ({
      %run_scoped3A_29 = tpu.sem_alloc : memref<!tpu.dma_semaphore, #tpu.memory_space<semaphore_mem>>
      %dma_start3A_30 = arith.constant 40 : i32
      %dma_start3A_31 = arith.constant 0 : i32
      %dma_start3A_32 = tpu.memref_slice %arg3[%run_scoped3A_14, %arg0, %arg1, %dma_start3A_30, %dma_start3A_31] : memref<2x2x16x80x128xi32, #tpu.memory_space<hbm>> -> memref<1x1x1x40x128xi32, #tpu.memory_space<hbm>>
      %dma_start3A_33 = tpu.memref_squeeze %dma_start3A_32 : memref<1x1x1x40x128xi32, #tpu.memory_space<hbm>> -> memref<40x128xi32, #tpu.memory_space<hbm>>
      %dma_start3A_34 = arith.constant 40 : i32
      %dma_start3A_35 = arith.constant 0 : i32
      %dma_start3A_36 = tpu.memref_slice %arg3[%run_scoped3A_14, %arg0, %arg1, %dma_start3A_34, %dma_start3A_35] : memref<2x2x16x80x128xi32, #tpu.memory_space<hbm>> -> memref<1x1x1x40x128xi32, #tpu.memory_space<hbm>>
      %dma_start3A_37 = tpu.memref_squeeze %dma_start3A_36 : memref<1x1x1x40x128xi32, #tpu.memory_space<hbm>> -> memref<40x128xi32, #tpu.memory_space<hbm>>
      tpu.enqueue_dma source(%dma_start3A_37 : memref<40x128xi32, #tpu.memory_space<hbm>>) target(%arg7 : memref<40x128xi32, #tpu.memory_space<vmem>>) target_semaphore(%run_scoped3A_29 : memref<!tpu.dma_semaphore, #tpu.memory_space<semaphore_mem>>)
      %dma_wait3A = arith.constant 40 : i32
      %dma_wait3A_38 = arith.constant 0 : i32
      %dma_wait3A_39 = tpu.memref_slice %arg3[%run_scoped3A_14, %arg0, %arg1, %dma_wait3A, %dma_wait3A_38] : memref<2x2x16x80x128xi32, #tpu.memory_space<hbm>> -> memref<1x1x1x40x128xi32, #tpu.memory_space<hbm>>
      %dma_wait3A_40 = tpu.memref_squeeze %dma_wait3A_39 : memref<1x1x1x40x128xi32, #tpu.memory_space<hbm>> -> memref<40x128xi32, #tpu.memory_space<hbm>>
      %dma_wait3A_41 = arith.constant 40 : i32
      %dma_wait3A_42 = arith.constant 0 : i32
      %dma_wait3A_43 = tpu.memref_slice %arg3[%run_scoped3A_14, %arg0, %arg1, %dma_wait3A_41, %dma_wait3A_42] : memref<2x2x16x80x128xi32, #tpu.memory_space<hbm>> -> memref<1x1x1x40x128xi32, #tpu.memory_space<hbm>>
      %dma_wait3A_44 = tpu.memref_squeeze %dma_wait3A_43 : memref<1x1x1x40x128xi32, #tpu.memory_space<hbm>> -> memref<40x128xi32, #tpu.memory_space<hbm>>
      tpu.wait_dma2 semaphore(%run_scoped3A_29 : memref<!tpu.dma_semaphore, #tpu.memory_space<semaphore_mem>>) src(%dma_wait3A_44 : memref<40x128xi32, #tpu.memory_space<hbm>>) dst(%arg7 : memref<40x128xi32, #tpu.memory_space<vmem>>)
      tpu.yield
    }) : () -> ()
    %dma_start3A_15 = arith.constant 0 : i32
    %dma_start3A_16 = arith.constant 0 : i32
    %dma_start3A_17 = tpu.memref_slice %arg6[%dma_start3A_15, %dma_start3A_16] : memref<40x128xi32, #tpu.memory_space<vmem>> -> memref<1x128xi32, #tpu.memory_space<vmem>>
    %dma_start3A_18 = tpu.memref_squeeze %dma_start3A_17 : memref<1x128xi32, #tpu.memory_space<vmem>> -> memref<128xi32, #tpu.memory_space<vmem>>
    %dma_start3A_19 = arith.constant 0 : i32
    %dma_start3A_20 = arith.constant 0 : i32
    %dma_start3A_21 = tpu.memref_slice %arg2[%dma_start3A_19, %dma_start3A_20] : memref<10000x128xf32, #tpu.memory_space<hbm>> -> memref<10000x128xf32, #tpu.memory_space<hbm>>
    tpu.enqueue_indirect_dma source(%dma_start3A_21 : memref<10000x128xf32, #tpu.memory_space<hbm>>) target(%arg8 : memref<128x128xf32, #tpu.memory_space<vmem>>) offsets(%dma_start3A_18 : memref<128xi32, #tpu.memory_space<vmem>>) semaphore(%arg11 : memref<!tpu.dma_semaphore, #tpu.memory_space<semaphore_mem>>)
    %scan3A_22 = arith.constant 0 : i32
    %scan3A_23 = arith.constant 0 : i32
    %scan3A_24 = arith.constant 20 : i32
    %scan3A_25 = arith.addi %scan3A_23, %scan3A_24 : i32
    %scan3A_26 = arith.constant 1 : i32
    scf.for %scan3A_29 = %scan3A_23 to %scan3A_25 step %scan3A_26  : i32 {
      %mul3A_30 = arith.constant 2 : i32
      %mul3A_31 = arith.muli %mul3A_30, %scan3A_29 : i32
      %add3A = arith.constant 1 : i32
      %add3A_32 = arith.addi %mul3A_31, %add3A : i32
      %dma_start3A_33 = arith.constant 0 : i32
      %dma_start3A_34 = tpu.memref_slice %arg6[%add3A_32, %dma_start3A_33] : memref<40x128xi32, #tpu.memory_space<vmem>> -> memref<1x128xi32, #tpu.memory_space<vmem>>
      %dma_start3A_35 = tpu.memref_squeeze %dma_start3A_34 : memref<1x128xi32, #tpu.memory_space<vmem>> -> memref<128xi32, #tpu.memory_space<vmem>>
      %dma_start3A_36 = arith.constant 0 : i32
      %dma_start3A_37 = arith.constant 0 : i32
      %dma_start3A_38 = tpu.memref_slice %arg2[%dma_start3A_36, %dma_start3A_37] : memref<10000x128xf32, #tpu.memory_space<hbm>> -> memref<10000x128xf32, #tpu.memory_space<hbm>>
      tpu.enqueue_indirect_dma source(%dma_start3A_38 : memref<10000x128xf32, #tpu.memory_space<hbm>>) target(%arg9 : memref<128x128xf32, #tpu.memory_space<vmem>>) offsets(%dma_start3A_35 : memref<128xi32, #tpu.memory_space<vmem>>) semaphore(%arg12 : memref<!tpu.dma_semaphore, #tpu.memory_space<semaphore_mem>>)
      %dma_wait3A = arith.constant 0 : i32
      %dma_wait3A_39 = tpu.memref_slice %arg6[%mul3A_31, %dma_wait3A] : memref<40x128xi32, #tpu.memory_space<vmem>> -> memref<1x128xi32, #tpu.memory_space<vmem>>
      %dma_wait3A_40 = tpu.memref_squeeze %dma_wait3A_39 : memref<1x128xi32, #tpu.memory_space<vmem>> -> memref<128xi32, #tpu.memory_space<vmem>>
      %dma_wait3A_41 = arith.constant 0 : i32
      %dma_wait3A_42 = arith.constant 0 : i32
      %dma_wait3A_43 = tpu.memref_slice %arg2[%dma_wait3A_41, %dma_wait3A_42] : memref<10000x128xf32, #tpu.memory_space<hbm>> -> memref<10000x128xf32, #tpu.memory_space<hbm>>
      tpu.wait_indirect_dma semaphore(%arg11 : memref<!tpu.dma_semaphore, #tpu.memory_space<semaphore_mem>>) src(%dma_wait3A_43 : memref<10000x128xf32, #tpu.memory_space<hbm>>) dst(%arg8 : memref<128x128xf32, #tpu.memory_space<vmem>>)
      "tpu.region"() ({
        %run_scoped3A_58 = tpu.sem_alloc : memref<!tpu.dma_semaphore, #tpu.memory_space<semaphore_mem>>
        %dma_start3A_59 = arith.constant 0 : i32
        %dma_start3A_60 = tpu.memref_slice %arg7[%mul3A_31, %dma_start3A_59] : memref<40x128xi32, #tpu.memory_space<vmem>> -> memref<1x128xi32, #tpu.memory_space<vmem>>
        %dma_start3A_61 = tpu.memref_squeeze %dma_start3A_60 : memref<1x128xi32, #tpu.memory_space<vmem>> -> memref<128xi32, #tpu.memory_space<vmem>>
        %dma_start3A_62 = arith.constant 0 : i32
        %dma_start3A_63 = arith.constant 0 : i32
        %dma_start3A_64 = tpu.memref_slice %arg10[%dma_start3A_62, %dma_start3A_63] : memref<10240x128xf32, #tpu.memory_space<vmem_shared>> -> memref<10240x128xf32, #tpu.memory_space<vmem_shared>>
        tpu.enqueue_indirect_dma source(%arg8 : memref<128x128xf32, #tpu.memory_space<vmem>>) target(%dma_start3A_64 : memref<10240x128xf32, #tpu.memory_space<vmem_shared>>) offsets(%dma_start3A_61 : memref<128xi32, #tpu.memory_space<vmem>>) semaphore(%run_scoped3A_58 : memref<!tpu.dma_semaphore, #tpu.memory_space<semaphore_mem>>) {add = true}
        %dma_wait3A_65 = arith.constant 0 : i32
        %dma_wait3A_66 = tpu.memref_slice %arg7[%mul3A_31, %dma_wait3A_65] : memref<40x128xi32, #tpu.memory_space<vmem>> -> memref<1x128xi32, #tpu.memory_space<vmem>>
        %dma_wait3A_67 = tpu.memref_squeeze %dma_wait3A_66 : memref<1x128xi32, #tpu.memory_space<vmem>> -> memref<128xi32, #tpu.memory_space<vmem>>
        %dma_wait3A_68 = arith.constant 0 : i32
        %dma_wait3A_69 = arith.constant 0 : i32
        %dma_wait3A_70 = tpu.memref_slice %arg10[%dma_wait3A_68, %dma_wait3A_69] : memref<10240x128xf32, #tpu.memory_space<vmem_shared>> -> memref<10240x128xf32, #tpu.memory_space<vmem_shared>>
        tpu.wait_indirect_dma semaphore(%run_scoped3A_58 : memref<!tpu.dma_semaphore, #tpu.memory_space<semaphore_mem>>) src(%arg8 : memref<128x128xf32, #tpu.memory_space<vmem>>) dst(%dma_wait3A_70 : memref<10240x128xf32, #tpu.memory_space<vmem_shared>>)
        tpu.yield
      }) : () -> ()
      %add3A_44 = arith.constant 2 : i32
      %add3A_45 = arith.addi %mul3A_31, %add3A_44 : i32
      %lt3A = arith.constant 40 : i32
      %lt3A_46 = arith.cmpi slt, %add3A_45, %lt3A : i32
      %convert_element_type3A = arith.extui %lt3A_46 : i1 to i32
      %cond3A = arith.constant 0 : i32
      %cond3A_47 = arith.cmpi ne, %convert_element_type3A, %cond3A : i32
      scf.if %cond3A_47 {
        %add3A_58 = arith.constant 2 : i32
        %add3A_59 = arith.addi %mul3A_31, %add3A_58 : i32
        %dma_start3A_60 = arith.constant 0 : i32
        %dma_start3A_61 = tpu.memref_slice %arg6[%add3A_59, %dma_start3A_60] : memref<40x128xi32, #tpu.memory_space<vmem>> -> memref<1x128xi32, #tpu.memory_space<vmem>>
        %dma_start3A_62 = tpu.memref_squeeze %dma_start3A_61 : memref<1x128xi32, #tpu.memory_space<vmem>> -> memref<128xi32, #tpu.memory_space<vmem>>
        %dma_start3A_63 = arith.constant 0 : i32
        %dma_start3A_64 = arith.constant 0 : i32
        %dma_start3A_65 = tpu.memref_slice %arg2[%dma_start3A_63, %dma_start3A_64] : memref<10000x128xf32, #tpu.memory_space<hbm>> -> memref<10000x128xf32, #tpu.memory_space<hbm>>
        tpu.enqueue_indirect_dma source(%dma_start3A_65 : memref<10000x128xf32, #tpu.memory_space<hbm>>) target(%arg8 : memref<128x128xf32, #tpu.memory_space<vmem>>) offsets(%dma_start3A_62 : memref<128xi32, #tpu.memory_space<vmem>>) semaphore(%arg11 : memref<!tpu.dma_semaphore, #tpu.memory_space<semaphore_mem>>)
      } else {
      }
      %add3A_48 = arith.constant 1 : i32
      %add3A_49 = arith.addi %mul3A_31, %add3A_48 : i32
      %dma_wait3A_50 = arith.constant 0 : i32
      %dma_wait3A_51 = tpu.memref_slice %arg6[%add3A_49, %dma_wait3A_50] : memref<40x128xi32, #tpu.memory_space<vmem>> -> memref<1x128xi32, #tpu.memory_space<vmem>>
      %dma_wait3A_52 = tpu.memref_squeeze %dma_wait3A_51 : memref<1x128xi32, #tpu.memory_space<vmem>> -> memref<128xi32, #tpu.memory_space<vmem>>
      %dma_wait3A_53 = arith.constant 0 : i32
      %dma_wait3A_54 = arith.constant 0 : i32
      %dma_wait3A_55 = tpu.memref_slice %arg2[%dma_wait3A_53, %dma_wait3A_54] : memref<10000x128xf32, #tpu.memory_space<hbm>> -> memref<10000x128xf32, #tpu.memory_space<hbm>>
      tpu.wait_indirect_dma semaphore(%arg12 : memref<!tpu.dma_semaphore, #tpu.memory_space<semaphore_mem>>) src(%dma_wait3A_55 : memref<10000x128xf32, #tpu.memory_space<hbm>>) dst(%arg9 : memref<128x128xf32, #tpu.memory_space<vmem>>)
      %add3A_56 = arith.constant 1 : i32
      %add3A_57 = arith.addi %mul3A_31, %add3A_56 : i32
      "tpu.region"() ({
        %run_scoped3A_58 = tpu.sem_alloc : memref<!tpu.dma_semaphore, #tpu.memory_space<semaphore_mem>>
        %dma_start3A_59 = arith.constant 0 : i32
        %dma_start3A_60 = tpu.memref_slice %arg7[%add3A_57, %dma_start3A_59] : memref<40x128xi32, #tpu.memory_space<vmem>> -> memref<1x128xi32, #tpu.memory_space<vmem>>
        %dma_start3A_61 = tpu.memref_squeeze %dma_start3A_60 : memref<1x128xi32, #tpu.memory_space<vmem>> -> memref<128xi32, #tpu.memory_space<vmem>>
        %dma_start3A_62 = arith.constant 0 : i32
        %dma_start3A_63 = arith.constant 0 : i32
        %dma_start3A_64 = tpu.memref_slice %arg10[%dma_start3A_62, %dma_start3A_63] : memref<10240x128xf32, #tpu.memory_space<vmem_shared>> -> memref<10240x128xf32, #tpu.memory_space<vmem_shared>>
        tpu.enqueue_indirect_dma source(%arg9 : memref<128x128xf32, #tpu.memory_space<vmem>>) target(%dma_start3A_64 : memref<10240x128xf32, #tpu.memory_space<vmem_shared>>) offsets(%dma_start3A_61 : memref<128xi32, #tpu.memory_space<vmem>>) semaphore(%run_scoped3A_58 : memref<!tpu.dma_semaphore, #tpu.memory_space<semaphore_mem>>) {add = true}
        %dma_wait3A_65 = arith.constant 0 : i32
        %dma_wait3A_66 = tpu.memref_slice %arg7[%add3A_57, %dma_wait3A_65] : memref<40x128xi32, #tpu.memory_space<vmem>> -> memref<1x128xi32, #tpu.memory_space<vmem>>
        %dma_wait3A_67 = tpu.memref_squeeze %dma_wait3A_66 : memref<1x128xi32, #tpu.memory_space<vmem>> -> memref<128xi32, #tpu.memory_space<vmem>>
        %dma_wait3A_68 = arith.constant 0 : i32
        %dma_wait3A_69 = arith.constant 0 : i32
        %dma_wait3A_70 = tpu.memref_slice %arg10[%dma_wait3A_68, %dma_wait3A_69] : memref<10240x128xf32, #tpu.memory_space<vmem_shared>> -> memref<10240x128xf32, #tpu.memory_space<vmem_shared>>
        tpu.wait_indirect_dma semaphore(%run_scoped3A_58 : memref<!tpu.dma_semaphore, #tpu.memory_space<semaphore_mem>>) src(%arg9 : memref<128x128xf32, #tpu.memory_space<vmem>>) dst(%dma_wait3A_70 : memref<10240x128xf32, #tpu.memory_space<vmem_shared>>)
        tpu.yield
      }) : () -> ()
    }
    %scan3A_27 = arith.constant 20 : i32
    %barrier3A_28 = arith.constant 0 : index
    tpu.barrier barrier_id(%barrier3A_28)
    "tpu.region"() ({
      %run_scoped3A_29 = tpu.sem_alloc : memref<!tpu.dma_semaphore, #tpu.memory_space<semaphore_mem>>
      %dma_start3A_30 = arith.constant 0 : i32
      %dma_start3A_31 = tpu.memref_slice %arg5[%arg0, %mul3A_0, %dma_start3A_30] : memref<2x10240x128xf32, #tpu.memory_space<hbm>> -> memref<1x640x128xf32, #tpu.memory_space<hbm>>
      %dma_start3A_32 = tpu.memref_squeeze %dma_start3A_31 : memref<1x640x128xf32, #tpu.memory_space<hbm>> -> memref<640x128xf32, #tpu.memory_space<hbm>>
      %dma_start3A_33 = arith.constant 0 : i32
      %dma_start3A_34 = tpu.memref_slice %arg10[%mul3A_0, %dma_start3A_33] : memref<10240x128xf32, #tpu.memory_space<vmem_shared>> -> memref<640x128xf32, #tpu.memory_space<vmem_shared>>
      tpu.enqueue_dma source(%dma_start3A_34 : memref<640x128xf32, #tpu.memory_space<vmem_shared>>) target(%dma_start3A_32 : memref<640x128xf32, #tpu.memory_space<hbm>>) target_semaphore(%run_scoped3A_29 : memref<!tpu.dma_semaphore, #tpu.memory_space<semaphore_mem>>)
      %dma_wait3A = arith.constant 0 : i32
      %dma_wait3A_35 = tpu.memref_slice %arg5[%arg0, %mul3A_0, %dma_wait3A] : memref<2x10240x128xf32, #tpu.memory_space<hbm>> -> memref<1x640x128xf32, #tpu.memory_space<hbm>>
      %dma_wait3A_36 = tpu.memref_squeeze %dma_wait3A_35 : memref<1x640x128xf32, #tpu.memory_space<hbm>> -> memref<640x128xf32, #tpu.memory_space<hbm>>
      %dma_wait3A_37 = arith.constant 0 : i32
      %dma_wait3A_38 = tpu.memref_slice %arg10[%mul3A_0, %dma_wait3A_37] : memref<10240x128xf32, #tpu.memory_space<vmem_shared>> -> memref<640x128xf32, #tpu.memory_space<vmem_shared>>
      tpu.wait_dma2 semaphore(%run_scoped3A_29 : memref<!tpu.dma_semaphore, #tpu.memory_space<semaphore_mem>>) src(%dma_wait3A_38 : memref<640x128xf32, #tpu.memory_space<vmem_shared>>) dst(%dma_wait3A_36 : memref<640x128xf32, #tpu.memory_space<hbm>>)
      tpu.yield
    }) : () -> ()
    return
  }
}

#map = affine_map<(d0, d1) -> (0, 0, 0, 0, 0)>
#map1 = affine_map<(d0, d1) -> (0)>
#map2 = affine_map<(d0, d1) -> (0, 0)>
module attributes {stable_mosaic.version = 14 : i64} {
  func.func @_sc_degree(%arg0: i32, %arg1: i32, %arg2: memref<2x2x16x80x128xi32, #tpu.memory_space<hbm>>, %arg3: memref<10240xf32, #tpu.memory_space<hbm>>, %arg4: memref<2x10240xf32, #tpu.memory_space<hbm>>, %arg5: memref<80x128xi32, #tpu.memory_space<vmem>>, %arg6: memref<128xf32, #tpu.memory_space<vmem>>, %arg7: memref<10240xf32, #tpu.memory_space<vmem_shared>>, %arg8: memref<!tpu.dma_semaphore, #tpu.memory_space<semaphore_mem>>) attributes {dimension_semantics = [#tpu.dimension_semantics<core_parallel>, #tpu.dimension_semantics<subcore_parallel>], iteration_bounds = array<i64: 2, 16>, scalar_prefetch = 0 : i64, scratch_operands = 4 : i64, tpu.core_type = #tpu.core_type<sc_vector_subcore>, window_params = [{transform_indices = #map}, {transform_indices = #map1}, {transform_indices = #map2}]} {
    %mul3A = arith.constant 640 : i32
    %mul3A_0 = arith.muli %arg1, %mul3A : i32
    "tpu.region"() ({
      %run_scoped3A_59 = tpu.sem_alloc : memref<!tpu.dma_semaphore, #tpu.memory_space<semaphore_mem>>
      %dma_start3A = tpu.memref_slice %arg7[%mul3A_0] : memref<10240xf32, #tpu.memory_space<vmem_shared>> -> memref<640xf32, #tpu.memory_space<vmem_shared>>
      %dma_start3A_60 = tpu.memref_slice %arg3[%mul3A_0] : memref<10240xf32, #tpu.memory_space<hbm>> -> memref<640xf32, #tpu.memory_space<hbm>>
      tpu.enqueue_dma source(%dma_start3A_60 : memref<640xf32, #tpu.memory_space<hbm>>) target(%dma_start3A : memref<640xf32, #tpu.memory_space<vmem_shared>>) target_semaphore(%run_scoped3A_59 : memref<!tpu.dma_semaphore, #tpu.memory_space<semaphore_mem>>)
      %dma_wait3A = tpu.memref_slice %arg7[%mul3A_0] : memref<10240xf32, #tpu.memory_space<vmem_shared>> -> memref<640xf32, #tpu.memory_space<vmem_shared>>
      %dma_wait3A_61 = tpu.memref_slice %arg3[%mul3A_0] : memref<10240xf32, #tpu.memory_space<hbm>> -> memref<640xf32, #tpu.memory_space<hbm>>
      tpu.wait_dma2 semaphore(%run_scoped3A_59 : memref<!tpu.dma_semaphore, #tpu.memory_space<semaphore_mem>>) src(%dma_wait3A_61 : memref<640xf32, #tpu.memory_space<hbm>>) dst(%dma_wait3A : memref<640xf32, #tpu.memory_space<vmem_shared>>)
      tpu.yield
    }) : () -> ()
    %run_scoped3A = arith.constant 1 : i32
    "tpu.region"() ({
      %run_scoped3A_59 = tpu.sem_alloc : memref<!tpu.dma_semaphore, #tpu.memory_space<semaphore_mem>>
      %dma_start3A = arith.constant 0 : i32
      %dma_start3A_60 = arith.constant 0 : i32
      %dma_start3A_61 = tpu.memref_slice %arg2[%run_scoped3A, %arg0, %arg1, %dma_start3A, %dma_start3A_60] : memref<2x2x16x80x128xi32, #tpu.memory_space<hbm>> -> memref<1x1x1x80x128xi32, #tpu.memory_space<hbm>>
      %dma_start3A_62 = tpu.memref_squeeze %dma_start3A_61 : memref<1x1x1x80x128xi32, #tpu.memory_space<hbm>> -> memref<80x128xi32, #tpu.memory_space<hbm>>
      %dma_start3A_63 = arith.constant 0 : i32
      %dma_start3A_64 = arith.constant 0 : i32
      %dma_start3A_65 = tpu.memref_slice %arg2[%run_scoped3A, %arg0, %arg1, %dma_start3A_63, %dma_start3A_64] : memref<2x2x16x80x128xi32, #tpu.memory_space<hbm>> -> memref<1x1x1x80x128xi32, #tpu.memory_space<hbm>>
      %dma_start3A_66 = tpu.memref_squeeze %dma_start3A_65 : memref<1x1x1x80x128xi32, #tpu.memory_space<hbm>> -> memref<80x128xi32, #tpu.memory_space<hbm>>
      tpu.enqueue_dma source(%dma_start3A_66 : memref<80x128xi32, #tpu.memory_space<hbm>>) target(%arg5 : memref<80x128xi32, #tpu.memory_space<vmem>>) target_semaphore(%run_scoped3A_59 : memref<!tpu.dma_semaphore, #tpu.memory_space<semaphore_mem>>)
      %dma_wait3A = arith.constant 0 : i32
      %dma_wait3A_67 = arith.constant 0 : i32
      %dma_wait3A_68 = tpu.memref_slice %arg2[%run_scoped3A, %arg0, %arg1, %dma_wait3A, %dma_wait3A_67] : memref<2x2x16x80x128xi32, #tpu.memory_space<hbm>> -> memref<1x1x1x80x128xi32, #tpu.memory_space<hbm>>
      %dma_wait3A_69 = tpu.memref_squeeze %dma_wait3A_68 : memref<1x1x1x80x128xi32, #tpu.memory_space<hbm>> -> memref<80x128xi32, #tpu.memory_space<hbm>>
      %dma_wait3A_70 = arith.constant 0 : i32
      %dma_wait3A_71 = arith.constant 0 : i32
      %dma_wait3A_72 = tpu.memref_slice %arg2[%run_scoped3A, %arg0, %arg1, %dma_wait3A_70, %dma_wait3A_71] : memref<2x2x16x80x128xi32, #tpu.memory_space<hbm>> -> memref<1x1x1x80x128xi32, #tpu.memory_space<hbm>>
      %dma_wait3A_73 = tpu.memref_squeeze %dma_wait3A_72 : memref<1x1x1x80x128xi32, #tpu.memory_space<hbm>> -> memref<80x128xi32, #tpu.memory_space<hbm>>
      tpu.wait_dma2 semaphore(%run_scoped3A_59 : memref<!tpu.dma_semaphore, #tpu.memory_space<semaphore_mem>>) src(%dma_wait3A_73 : memref<80x128xi32, #tpu.memory_space<hbm>>) dst(%arg5 : memref<80x128xi32, #tpu.memory_space<vmem>>)
      tpu.yield
    }) : () -> ()
    %broadcast_in_dim3A = arith.constant 1.000000e+00 : f32
    %broadcast_in_dim3A_1 = vector.broadcast %broadcast_in_dim3A : f32 to vector<16xf32>
    %swap3A = arith.constant 0 : index
    %swap3A_2 = tpu.vector_load %arg6[%swap3A] {strides = array<i32>} : memref<128xf32, #tpu.memory_space<vmem>>, vector<16xf32>,
    %swap3A_3 = vector.shape_cast %swap3A_2 : vector<16xf32> to vector<16xf32>
    %swap3A_4 = vector.shape_cast %broadcast_in_dim3A_1 : vector<16xf32> to vector<16xf32>
    tpu.vector_store %arg6[%swap3A], %swap3A_4 {strides = array<i32>} : memref<128xf32, #tpu.memory_space<vmem>>, vector<16xf32>,
    %broadcast_in_dim3A_5 = arith.constant 1.000000e+00 : f32
    %broadcast_in_dim3A_6 = vector.broadcast %broadcast_in_dim3A_5 : f32 to vector<16xf32>
    %swap3A_7 = arith.constant 16 : index
    %swap3A_8 = tpu.vector_load %arg6[%swap3A_7] {strides = array<i32>} : memref<128xf32, #tpu.memory_space<vmem>>, vector<16xf32>,
    %swap3A_9 = vector.shape_cast %swap3A_8 : vector<16xf32> to vector<16xf32>
    %swap3A_10 = vector.shape_cast %broadcast_in_dim3A_6 : vector<16xf32> to vector<16xf32>
    tpu.vector_store %arg6[%swap3A_7], %swap3A_10 {strides = array<i32>} : memref<128xf32, #tpu.memory_space<vmem>>, vector<16xf32>,
    %broadcast_in_dim3A_11 = arith.constant 1.000000e+00 : f32
    %broadcast_in_dim3A_12 = vector.broadcast %broadcast_in_dim3A_11 : f32 to vector<16xf32>
    %swap3A_13 = arith.constant 32 : index
    %swap3A_14 = tpu.vector_load %arg6[%swap3A_13] {strides = array<i32>} : memref<128xf32, #tpu.memory_space<vmem>>, vector<16xf32>,
    %swap3A_15 = vector.shape_cast %swap3A_14 : vector<16xf32> to vector<16xf32>
    %swap3A_16 = vector.shape_cast %broadcast_in_dim3A_12 : vector<16xf32> to vector<16xf32>
    tpu.vector_store %arg6[%swap3A_13], %swap3A_16 {strides = array<i32>} : memref<128xf32, #tpu.memory_space<vmem>>, vector<16xf32>,
    %broadcast_in_dim3A_17 = arith.constant 1.000000e+00 : f32
    %broadcast_in_dim3A_18 = vector.broadcast %broadcast_in_dim3A_17 : f32 to vector<16xf32>
    %swap3A_19 = arith.constant 48 : index
    %swap3A_20 = tpu.vector_load %arg6[%swap3A_19] {strides = array<i32>} : memref<128xf32, #tpu.memory_space<vmem>>, vector<16xf32>,
    %swap3A_21 = vector.shape_cast %swap3A_20 : vector<16xf32> to vector<16xf32>
    %swap3A_22 = vector.shape_cast %broadcast_in_dim3A_18 : vector<16xf32> to vector<16xf32>
    tpu.vector_store %arg6[%swap3A_19], %swap3A_22 {strides = array<i32>} : memref<128xf32, #tpu.memory_space<vmem>>, vector<16xf32>,
    %broadcast_in_dim3A_23 = arith.constant 1.000000e+00 : f32
    %broadcast_in_dim3A_24 = vector.broadcast %broadcast_in_dim3A_23 : f32 to vector<16xf32>
    %swap3A_25 = arith.constant 64 : index
    %swap3A_26 = tpu.vector_load %arg6[%swap3A_25] {strides = array<i32>} : memref<128xf32, #tpu.memory_space<vmem>>, vector<16xf32>,
    %swap3A_27 = vector.shape_cast %swap3A_26 : vector<16xf32> to vector<16xf32>
    %swap3A_28 = vector.shape_cast %broadcast_in_dim3A_24 : vector<16xf32> to vector<16xf32>
    tpu.vector_store %arg6[%swap3A_25], %swap3A_28 {strides = array<i32>} : memref<128xf32, #tpu.memory_space<vmem>>, vector<16xf32>,
    %broadcast_in_dim3A_29 = arith.constant 1.000000e+00 : f32
    %broadcast_in_dim3A_30 = vector.broadcast %broadcast_in_dim3A_29 : f32 to vector<16xf32>
    %swap3A_31 = arith.constant 80 : index
    %swap3A_32 = tpu.vector_load %arg6[%swap3A_31] {strides = array<i32>} : memref<128xf32, #tpu.memory_space<vmem>>, vector<16xf32>,
    %swap3A_33 = vector.shape_cast %swap3A_32 : vector<16xf32> to vector<16xf32>
    %swap3A_34 = vector.shape_cast %broadcast_in_dim3A_30 : vector<16xf32> to vector<16xf32>
    tpu.vector_store %arg6[%swap3A_31], %swap3A_34 {strides = array<i32>} : memref<128xf32, #tpu.memory_space<vmem>>, vector<16xf32>,
    %broadcast_in_dim3A_35 = arith.constant 1.000000e+00 : f32
    %broadcast_in_dim3A_36 = vector.broadcast %broadcast_in_dim3A_35 : f32 to vector<16xf32>
    %swap3A_37 = arith.constant 96 : index
    %swap3A_38 = tpu.vector_load %arg6[%swap3A_37] {strides = array<i32>} : memref<128xf32, #tpu.memory_space<vmem>>, vector<16xf32>,
    %swap3A_39 = vector.shape_cast %swap3A_38 : vector<16xf32> to vector<16xf32>
    %swap3A_40 = vector.shape_cast %broadcast_in_dim3A_36 : vector<16xf32> to vector<16xf32>
    tpu.vector_store %arg6[%swap3A_37], %swap3A_40 {strides = array<i32>} : memref<128xf32, #tpu.memory_space<vmem>>, vector<16xf32>,
    %broadcast_in_dim3A_41 = arith.constant 1.000000e+00 : f32
    %broadcast_in_dim3A_42 = vector.broadcast %broadcast_in_dim3A_41 : f32 to vector<16xf32>
    %swap3A_43 = arith.constant 112 : index
    %swap3A_44 = tpu.vector_load %arg6[%swap3A_43] {strides = array<i32>} : memref<128xf32, #tpu.memory_space<vmem>>, vector<16xf32>,
    %swap3A_45 = vector.shape_cast %swap3A_44 : vector<16xf32> to vector<16xf32>
    %swap3A_46 = vector.shape_cast %broadcast_in_dim3A_42 : vector<16xf32> to vector<16xf32>
    tpu.vector_store %arg6[%swap3A_43], %swap3A_46 {strides = array<i32>} : memref<128xf32, #tpu.memory_space<vmem>>, vector<16xf32>,
    %barrier3A = arith.constant 0 : index
    tpu.barrier barrier_id(%barrier3A)
    %scan3A = arith.constant 0 : i32
    %scan3A_47 = arith.constant 0 : i32
    %scan3A_48 = arith.constant 80 : i32
    %scan3A_49 = arith.addi %scan3A_47, %scan3A_48 : i32
    %scan3A_50 = arith.constant 1 : i32
    scf.for %scan3A_59 = %scan3A_47 to %scan3A_49 step %scan3A_50  : i32 {
      %dma_start3A = arith.constant 0 : i32
      %dma_start3A_60 = tpu.memref_slice %arg5[%scan3A_59, %dma_start3A] : memref<80x128xi32, #tpu.memory_space<vmem>> -> memref<1x128xi32, #tpu.memory_space<vmem>>
      %dma_start3A_61 = tpu.memref_squeeze %dma_start3A_60 : memref<1x128xi32, #tpu.memory_space<vmem>> -> memref<128xi32, #tpu.memory_space<vmem>>
      %dma_start3A_62 = arith.constant 0 : i32
      %dma_start3A_63 = tpu.memref_slice %arg7[%dma_start3A_62] : memref<10240xf32, #tpu.memory_space<vmem_shared>> -> memref<10240xf32, #tpu.memory_space<vmem_shared>>
      tpu.enqueue_indirect_dma source(%arg6 : memref<128xf32, #tpu.memory_space<vmem>>) target(%dma_start3A_63 : memref<10240xf32, #tpu.memory_space<vmem_shared>>) offsets(%dma_start3A_61 : memref<128xi32, #tpu.memory_space<vmem>>) semaphore(%arg8 : memref<!tpu.dma_semaphore, #tpu.memory_space<semaphore_mem>>) {add = true}
    }
    %scan3A_51 = arith.constant 80 : i32
    %scan3A_52 = arith.constant 0 : i32
    %scan3A_53 = arith.constant 0 : i32
    %scan3A_54 = arith.constant 80 : i32
    %scan3A_55 = arith.addi %scan3A_53, %scan3A_54 : i32
    %scan3A_56 = arith.constant 1 : i32
    scf.for %scan3A_59 = %scan3A_53 to %scan3A_55 step %scan3A_56  : i32 {
      %dma_wait3A = arith.constant 0 : i32
      %dma_wait3A_60 = arith.constant 0 : i32
      %dma_wait3A_61 = tpu.memref_slice %arg5[%dma_wait3A, %dma_wait3A_60] : memref<80x128xi32, #tpu.memory_space<vmem>> -> memref<1x128xi32, #tpu.memory_space<vmem>>
      %dma_wait3A_62 = tpu.memref_squeeze %dma_wait3A_61 : memref<1x128xi32, #tpu.memory_space<vmem>> -> memref<128xi32, #tpu.memory_space<vmem>>
      %dma_wait3A_63 = arith.constant 0 : i32
      %dma_wait3A_64 = tpu.memref_slice %arg7[%dma_wait3A_63] : memref<10240xf32, #tpu.memory_space<vmem_shared>> -> memref<10240xf32, #tpu.memory_space<vmem_shared>>
      tpu.wait_indirect_dma semaphore(%arg8 : memref<!tpu.dma_semaphore, #tpu.memory_space<semaphore_mem>>) src(%arg6 : memref<128xf32, #tpu.memory_space<vmem>>) dst(%dma_wait3A_64 : memref<10240xf32, #tpu.memory_space<vmem_shared>>)
    }
    %scan3A_57 = arith.constant 80 : i32
    %barrier3A_58 = arith.constant 0 : index
    tpu.barrier barrier_id(%barrier3A_58)
    "tpu.region"() ({
      %run_scoped3A_59 = tpu.sem_alloc : memref<!tpu.dma_semaphore, #tpu.memory_space<semaphore_mem>>
      %dma_start3A = tpu.memref_slice %arg4[%arg0, %mul3A_0] : memref<2x10240xf32, #tpu.memory_space<hbm>> -> memref<1x640xf32, #tpu.memory_space<hbm>>
      %dma_start3A_60 = tpu.memref_squeeze %dma_start3A : memref<1x640xf32, #tpu.memory_space<hbm>> -> memref<640xf32, #tpu.memory_space<hbm>>
      %dma_start3A_61 = tpu.memref_slice %arg7[%mul3A_0] : memref<10240xf32, #tpu.memory_space<vmem_shared>> -> memref<640xf32, #tpu.memory_space<vmem_shared>>
      tpu.enqueue_dma source(%dma_start3A_61 : memref<640xf32, #tpu.memory_space<vmem_shared>>) target(%dma_start3A_60 : memref<640xf32, #tpu.memory_space<hbm>>) target_semaphore(%run_scoped3A_59 : memref<!tpu.dma_semaphore, #tpu.memory_space<semaphore_mem>>)
      %dma_wait3A = tpu.memref_slice %arg4[%arg0, %mul3A_0] : memref<2x10240xf32, #tpu.memory_space<hbm>> -> memref<1x640xf32, #tpu.memory_space<hbm>>
      %dma_wait3A_62 = tpu.memref_squeeze %dma_wait3A : memref<1x640xf32, #tpu.memory_space<hbm>> -> memref<640xf32, #tpu.memory_space<hbm>>
      %dma_wait3A_63 = tpu.memref_slice %arg7[%mul3A_0] : memref<10240xf32, #tpu.memory_space<vmem_shared>> -> memref<640xf32, #tpu.memory_space<vmem_shared>>
      tpu.wait_dma2 semaphore(%run_scoped3A_59 : memref<!tpu.dma_semaphore, #tpu.memory_space<semaphore_mem>>) src(%dma_wait3A_63 : memref<640xf32, #tpu.memory_space<vmem_shared>>) dst(%dma_wait3A_62 : memref<640xf32, #tpu.memory_space<hbm>>)
      tpu.yield
    }) : () -> ()
    return
  }
}

module attributes {stable_mosaic.version = 14 : i64} {
  func.func @_tc_h_body(%arg0: i32, %arg1: memref<2000x128xf32, #tpu.memory_space<vmem>>, %arg2: memref<128x128xf32, #tpu.memory_space<vmem>>, %arg3: memref<2000x128xf32, #tpu.memory_space<vmem>>) attributes {dimension_semantics = [#tpu.dimension_semantics<arbitrary>], iteration_bounds = array<i64: 5>, scalar_prefetch = 0 : i64, scratch_operands = 0 : i64, tpu.core_type = #tpu.core_type<tc>, window_params = [{transform_indices = @transform_0, window_bounds = array<i64: 2000, 128>}, {pipeline_mode = #tpu.pipeline_mode<synchronous>, transform_indices = @transform_1, window_bounds = array<i64: 128, 128>}, {transform_indices = @transform_2, window_bounds = array<i64: 2000, 128>}]} {
    %get3A = arith.constant 0 : index
    %get3A_0 = arith.constant 0 : index
    %get3A_1 = vector.load %arg1[%get3A, %get3A_0] : memref<2000x128xf32, #tpu.memory_space<vmem>>, vector<2000x128xf32>
    %get3A_2 = arith.constant 0 : index
    %get3A_3 = arith.constant 0 : index
    %get3A_4 = vector.load %arg2[%get3A_2, %get3A_3] : memref<128x128xf32, #tpu.memory_space<vmem>>, vector<128x128xf32>
    %dot_general3A = arith.constant dense<0.000000e+00> : vector<2000x128xf32>
    %dot_general3A_5 = tpu.matmul %get3A_1, %get3A_4, %dot_general3A {dimension_numbers = #tpu.dot_dimension_numbers<[1], [0], [0], [1], [0, 0, 1, 1], [], []>, transpose_lhs_hint = false} : vector<2000x128xf32>, vector<128x128xf32>, vector<2000x128xf32> -> vector<2000x128xf32>
    %swap3A = arith.constant 0 : index
    %swap3A_6 = arith.constant 0 : index
    %swap3A_7 = vector.load %arg3[%swap3A, %swap3A_6] : memref<2000x128xf32, #tpu.memory_space<vmem>>, vector<2000x128xf32>
    tpu.vector_store %arg3[%swap3A, %swap3A_6], %dot_general3A_5 {strides = array<i32>} : memref<2000x128xf32, #tpu.memory_space<vmem>>, vector<2000x128xf32>,
    return
  }
  func.func @transform_0(%arg0: i32) -> (i32, i32) {
    %c0_i32 = arith.constant 0 : i32
    %c0_i32_0 = arith.constant 0 : i32
    return %arg0, %c0_i32 : i32, i32
  }
  func.func @transform_1(%arg0: i32) -> (i32, i32) {
    %c0_i32 = arith.constant 0 : i32
    %c0_i32_0 = arith.constant 0 : i32
    %c0_i32_1 = arith.constant 0 : i32
    return %c0_i32, %c0_i32_0 : i32, i32
  }
  func.func @transform_2(%arg0: i32) -> (i32, i32) {
    %c0_i32 = arith.constant 0 : i32
    %c0_i32_0 = arith.constant 0 : i32
    return %arg0, %c0_i32 : i32, i32
  }
}

module attributes {stable_mosaic.version = 14 : i64} {
  func.func @_tc_u_body(%arg0: i32, %arg1: memref<2000x128xf32, #tpu.memory_space<vmem>>, %arg2: memref<2000x2xf32, #tpu.memory_space<vmem>>, %arg3: memref<2000x128xf32, #tpu.memory_space<vmem>>, %arg4: memref<2000x1xf32, #tpu.memory_space<vmem>>) attributes {dimension_semantics = [#tpu.dimension_semantics<arbitrary>], iteration_bounds = array<i64: 5>, scalar_prefetch = 0 : i64, scratch_operands = 0 : i64, tpu.core_type = #tpu.core_type<tc>, window_params = [{transform_indices = @transform_0, window_bounds = array<i64: 2000, 128>}, {transform_indices = @transform_1, window_bounds = array<i64: 2000, 2>}, {transform_indices = @transform_2, window_bounds = array<i64: 2000, 128>}, {transform_indices = @transform_3, window_bounds = array<i64: 2000, 1>}]} {
    %get3A = arith.constant 0 : index
    %get3A_0 = arith.constant 0 : index
    %get3A_1 = vector.load %arg2[%get3A, %get3A_0] : memref<2000x2xf32, #tpu.memory_space<vmem>>, vector<2000x1xf32>
    %get3A_2 = vector.shape_cast %get3A_1 : vector<2000x1xf32> to vector<2000xf32>
    %get3A_3 = arith.constant 0 : index
    %get3A_4 = arith.constant 1 : index
    %get3A_5 = vector.load %arg2[%get3A_3, %get3A_4] : memref<2000x2xf32, #tpu.memory_space<vmem>>, vector<2000x1xf32>
    %get3A_6 = vector.shape_cast %get3A_5 : vector<2000x1xf32> to vector<2000xf32>
    %add3A = arith.addf %get3A_2, %get3A_6 : vector<2000xf32>
    %add3A_7 = arith.constant 1.000000e+00 : f32
    %add3A_8 = vector.broadcast %add3A_7 : f32 to vector<2000xf32>
    %add3A_9 = arith.addf %add3A, %add3A_8 : vector<2000xf32>
    %rsqrt3A = math.rsqrt %add3A_9 : vector<2000xf32>
    %get3A_10 = arith.constant 0 : index
    %get3A_11 = arith.constant 0 : index
    %get3A_12 = vector.load %arg1[%get3A_10, %get3A_11] : memref<2000x128xf32, #tpu.memory_space<vmem>>, vector<2000x128xf32>
    %broadcast_in_dim3A = vector.shape_cast %rsqrt3A : vector<2000xf32> to vector<2000x1xf32>
    %mul3A = vector.broadcast %broadcast_in_dim3A : vector<2000x1xf32> to vector<2000x128xf32>
    %mul3A_13 = arith.mulf %get3A_12, %mul3A : vector<2000x128xf32>
    %swap3A = arith.constant 0 : index
    %swap3A_14 = arith.constant 0 : index
    %swap3A_15 = vector.load %arg3[%swap3A, %swap3A_14] : memref<2000x128xf32, #tpu.memory_space<vmem>>, vector<2000x128xf32>
    tpu.vector_store %arg3[%swap3A, %swap3A_14], %mul3A_13 {strides = array<i32>} : memref<2000x128xf32, #tpu.memory_space<vmem>>, vector<2000x128xf32>,
    %broadcast_in_dim3A_16 = vector.shape_cast %rsqrt3A : vector<2000xf32> to vector<2000x1xf32>
    %swap3A_17 = arith.constant 0 : index
    %swap3A_18 = arith.constant 0 : index
    %swap3A_19 = vector.load %arg4[%swap3A_17, %swap3A_18] : memref<2000x1xf32, #tpu.memory_space<vmem>>, vector<2000x1xf32>
    tpu.vector_store %arg4[%swap3A_17, %swap3A_18], %broadcast_in_dim3A_16 {strides = array<i32>} : memref<2000x1xf32, #tpu.memory_space<vmem>>, vector<2000x1xf32>,
    return
  }
  func.func @transform_0(%arg0: i32) -> (i32, i32) {
    %c0_i32 = arith.constant 0 : i32
    %c0_i32_0 = arith.constant 0 : i32
    return %arg0, %c0_i32 : i32, i32
  }
  func.func @transform_1(%arg0: i32) -> (i32, i32) {
    %c0_i32 = arith.constant 0 : i32
    %c0_i32_0 = arith.constant 0 : i32
    return %arg0, %c0_i32 : i32, i32
  }
  func.func @transform_2(%arg0: i32) -> (i32, i32) {
    %c0_i32 = arith.constant 0 : i32
    %c0_i32_0 = arith.constant 0 : i32
    return %arg0, %c0_i32 : i32, i32
  }
  func.func @transform_3(%arg0: i32) -> (i32, i32) {
    %c0_i32 = arith.constant 0 : i32
    %c0_i32_0 = arith.constant 0 : i32
    return %arg0, %c0_i32 : i32, i32
  }
}

module attributes {stable_mosaic.version = 14 : i64} {
  func.func @_tc_d_body(%arg0: i32, %arg1: memref<2x2000x128xf32, #tpu.memory_space<vmem>>, %arg2: memref<2000x128xf32, #tpu.memory_space<vmem>>, %arg3: memref<2000x1xf32, #tpu.memory_space<vmem>>, %arg4: memref<1x128xf32, #tpu.memory_space<vmem>>, %arg5: memref<128x128xf32, #tpu.memory_space<vmem>>, %arg6: memref<2000x128xf32, #tpu.memory_space<vmem>>) attributes {dimension_semantics = [#tpu.dimension_semantics<arbitrary>], iteration_bounds = array<i64: 5>, scalar_prefetch = 0 : i64, scratch_operands = 0 : i64, tpu.core_type = #tpu.core_type<tc>, window_params = [{transform_indices = @transform_0, window_bounds = array<i64: 2, 2000, 128>}, {transform_indices = @transform_1, window_bounds = array<i64: 2000, 128>}, {transform_indices = @transform_2, window_bounds = array<i64: 2000, 1>}, {pipeline_mode = #tpu.pipeline_mode<synchronous>, transform_indices = @transform_3, window_bounds = array<i64: 1, 128>}, {pipeline_mode = #tpu.pipeline_mode<synchronous>, transform_indices = @transform_4, window_bounds = array<i64: 128, 128>}, {transform_indices = @transform_5, window_bounds = array<i64: 2000, 128>}]} {
    %get3A = arith.constant 0 : index
    %get3A_0 = arith.constant 0 : index
    %get3A_1 = arith.constant 0 : index
    %get3A_2 = vector.load %arg1[%get3A, %get3A_0, %get3A_1] : memref<2x2000x128xf32, #tpu.memory_space<vmem>>, vector<1x2000x128xf32>
    %get3A_3 = vector.shape_cast %get3A_2 : vector<1x2000x128xf32> to vector<2000x128xf32>
    %get3A_4 = arith.constant 1 : index
    %get3A_5 = arith.constant 0 : index
    %get3A_6 = arith.constant 0 : index
    %get3A_7 = vector.load %arg1[%get3A_4, %get3A_5, %get3A_6] : memref<2x2000x128xf32, #tpu.memory_space<vmem>>, vector<1x2000x128xf32>
    %get3A_8 = vector.shape_cast %get3A_7 : vector<1x2000x128xf32> to vector<2000x128xf32>
    %add3A = arith.addf %get3A_3, %get3A_8 : vector<2000x128xf32>
    %get3A_9 = arith.constant 0 : index
    %get3A_10 = arith.constant 0 : index
    %get3A_11 = vector.load %arg2[%get3A_9, %get3A_10] : memref<2000x128xf32, #tpu.memory_space<vmem>>, vector<2000x128xf32>
    %add3A_12 = arith.addf %add3A, %get3A_11 : vector<2000x128xf32>
    %get3A_13 = arith.constant 0 : index
    %get3A_14 = arith.constant 0 : index
    %get3A_15 = vector.load %arg3[%get3A_13, %get3A_14] : memref<2000x1xf32, #tpu.memory_space<vmem>>, vector<2000x1xf32>
    %mul3A = vector.broadcast %get3A_15 : vector<2000x1xf32> to vector<2000x128xf32>
    %mul3A_16 = arith.mulf %add3A_12, %mul3A : vector<2000x128xf32>
    %get3A_17 = arith.constant 0 : index
    %get3A_18 = arith.constant 0 : index
    %get3A_19 = vector.load %arg4[%get3A_17, %get3A_18] : memref<1x128xf32, #tpu.memory_space<vmem>>, vector<1x128xf32>
    %add3A_20 = vector.broadcast %get3A_19 : vector<1x128xf32> to vector<2000x128xf32>
    %add3A_21 = arith.addf %mul3A_16, %add3A_20 : vector<2000x128xf32>
    %max3A = arith.constant 0.000000e+00 : f32
    %max3A_22 = vector.broadcast %max3A : f32 to vector<2000x128xf32>
    %max3A_23 = arith.maximumf %add3A_21, %max3A_22 : vector<2000x128xf32>
    %get3A_24 = arith.constant 0 : index
    %get3A_25 = arith.constant 0 : index
    %get3A_26 = vector.load %arg5[%get3A_24, %get3A_25] : memref<128x128xf32, #tpu.memory_space<vmem>>, vector<128x128xf32>
    %dot_general3A = arith.constant dense<0.000000e+00> : vector<2000x128xf32>
    %dot_general3A_27 = tpu.matmul %max3A_23, %get3A_26, %dot_general3A {dimension_numbers = #tpu.dot_dimension_numbers<[1], [0], [0], [1], [0, 0, 1, 1], [], []>, transpose_lhs_hint = false} : vector<2000x128xf32>, vector<128x128xf32>, vector<2000x128xf32> -> vector<2000x128xf32>
    %mul3A_28 = vector.broadcast %get3A_15 : vector<2000x1xf32> to vector<2000x128xf32>
    %mul3A_29 = arith.mulf %dot_general3A_27, %mul3A_28 : vector<2000x128xf32>
    %swap3A = arith.constant 0 : index
    %swap3A_30 = arith.constant 0 : index
    %swap3A_31 = vector.load %arg6[%swap3A, %swap3A_30] : memref<2000x128xf32, #tpu.memory_space<vmem>>, vector<2000x128xf32>
    tpu.vector_store %arg6[%swap3A, %swap3A_30], %mul3A_29 {strides = array<i32>} : memref<2000x128xf32, #tpu.memory_space<vmem>>, vector<2000x128xf32>,
    return
  }
  func.func @transform_0(%arg0: i32) -> (i32, i32, i32) {
    %c0_i32 = arith.constant 0 : i32
    %c0_i32_0 = arith.constant 0 : i32
    %c0_i32_1 = arith.constant 0 : i32
    return %c0_i32, %arg0, %c0_i32_0 : i32, i32, i32
  }
  func.func @transform_1(%arg0: i32) -> (i32, i32) {
    %c0_i32 = arith.constant 0 : i32
    %c0_i32_0 = arith.constant 0 : i32
    return %arg0, %c0_i32 : i32, i32
  }
  func.func @transform_2(%arg0: i32) -> (i32, i32) {
    %c0_i32 = arith.constant 0 : i32
    %c0_i32_0 = arith.constant 0 : i32
    return %arg0, %c0_i32 : i32, i32
  }
  func.func @transform_3(%arg0: i32) -> (i32, i32) {
    %c0_i32 = arith.constant 0 : i32
    %c0_i32_0 = arith.constant 0 : i32
    %c0_i32_1 = arith.constant 0 : i32
    return %c0_i32, %c0_i32_0 : i32, i32
  }
  func.func @transform_4(%arg0: i32) -> (i32, i32) {
    %c0_i32 = arith.constant 0 : i32
    %c0_i32_0 = arith.constant 0 : i32
    %c0_i32_1 = arith.constant 0 : i32
    return %c0_i32, %c0_i32_0 : i32, i32
  }
  func.func @transform_5(%arg0: i32) -> (i32, i32) {
    %c0_i32 = arith.constant 0 : i32
    %c0_i32_0 = arith.constant 0 : i32
    return %arg0, %c0_i32 : i32, i32
  }
}

module attributes {stable_mosaic.version = 14 : i64} {
  func.func @_tc_f_body(%arg0: i32, %arg1: memref<2x2000x128xf32, #tpu.memory_space<vmem>>, %arg2: memref<2000x128xf32, #tpu.memory_space<vmem>>, %arg3: memref<2000x1xf32, #tpu.memory_space<vmem>>, %arg4: memref<1x128xf32, #tpu.memory_space<vmem>>, %arg5: memref<128x64xf32, #tpu.memory_space<vmem>>, %arg6: memref<1x64xf32, #tpu.memory_space<vmem>>, %arg7: memref<64x2xf32, #tpu.memory_space<vmem>>, %arg8: memref<1x2xf32, #tpu.memory_space<vmem>>, %arg9: memref<2000x2xf32, #tpu.memory_space<vmem>>) attributes {dimension_semantics = [#tpu.dimension_semantics<arbitrary>], iteration_bounds = array<i64: 5>, scalar_prefetch = 0 : i64, scratch_operands = 0 : i64, tpu.core_type = #tpu.core_type<tc>, window_params = [{transform_indices = @transform_0, window_bounds = array<i64: 2, 2000, 128>}, {transform_indices = @transform_1, window_bounds = array<i64: 2000, 128>}, {transform_indices = @transform_2, window_bounds = array<i64: 2000, 1>}, {pipeline_mode = #tpu.pipeline_mode<synchronous>, transform_indices = @transform_3, window_bounds = array<i64: 1, 128>}, {pipeline_mode = #tpu.pipeline_mode<synchronous>, transform_indices = @transform_4, window_bounds = array<i64: 128, 64>}, {pipeline_mode = #tpu.pipeline_mode<synchronous>, transform_indices = @transform_5, window_bounds = array<i64: 1, 64>}, {pipeline_mode = #tpu.pipeline_mode<synchronous>, transform_indices = @transform_6, window_bounds = array<i64: 64, 2>}, {pipeline_mode = #tpu.pipeline_mode<synchronous>, transform_indices = @transform_7, window_bounds = array<i64: 1, 2>}, {transform_indices = @transform_8, window_bounds = array<i64: 2000, 2>}]} {
    %get3A = arith.constant 0 : index
    %get3A_0 = arith.constant 0 : index
    %get3A_1 = arith.constant 0 : index
    %get3A_2 = vector.load %arg1[%get3A, %get3A_0, %get3A_1] : memref<2x2000x128xf32, #tpu.memory_space<vmem>>, vector<1x2000x128xf32>
    %get3A_3 = vector.shape_cast %get3A_2 : vector<1x2000x128xf32> to vector<2000x128xf32>
    %get3A_4 = arith.constant 1 : index
    %get3A_5 = arith.constant 0 : index
    %get3A_6 = arith.constant 0 : index
    %get3A_7 = vector.load %arg1[%get3A_4, %get3A_5, %get3A_6] : memref<2x2000x128xf32, #tpu.memory_space<vmem>>, vector<1x2000x128xf32>
    %get3A_8 = vector.shape_cast %get3A_7 : vector<1x2000x128xf32> to vector<2000x128xf32>
    %add3A = arith.addf %get3A_3, %get3A_8 : vector<2000x128xf32>
    %get3A_9 = arith.constant 0 : index
    %get3A_10 = arith.constant 0 : index
    %get3A_11 = vector.load %arg2[%get3A_9, %get3A_10] : memref<2000x128xf32, #tpu.memory_space<vmem>>, vector<2000x128xf32>
    %add3A_12 = arith.addf %add3A, %get3A_11 : vector<2000x128xf32>
    %get3A_13 = arith.constant 0 : index
    %get3A_14 = arith.constant 0 : index
    %get3A_15 = vector.load %arg3[%get3A_13, %get3A_14] : memref<2000x1xf32, #tpu.memory_space<vmem>>, vector<2000x1xf32>
    %mul3A = vector.broadcast %get3A_15 : vector<2000x1xf32> to vector<2000x128xf32>
    %mul3A_16 = arith.mulf %add3A_12, %mul3A : vector<2000x128xf32>
    %get3A_17 = arith.constant 0 : index
    %get3A_18 = arith.constant 0 : index
    %get3A_19 = vector.load %arg4[%get3A_17, %get3A_18] : memref<1x128xf32, #tpu.memory_space<vmem>>, vector<1x128xf32>
    %add3A_20 = vector.broadcast %get3A_19 : vector<1x128xf32> to vector<2000x128xf32>
    %add3A_21 = arith.addf %mul3A_16, %add3A_20 : vector<2000x128xf32>
    %get3A_22 = arith.constant 0 : index
    %get3A_23 = arith.constant 0 : index
    %get3A_24 = vector.load %arg5[%get3A_22, %get3A_23] : memref<128x64xf32, #tpu.memory_space<vmem>>, vector<128x64xf32>
    %dot_general3A = arith.constant dense<0.000000e+00> : vector<2000x64xf32>
    %dot_general3A_25 = tpu.matmul %add3A_21, %get3A_24, %dot_general3A {dimension_numbers = #tpu.dot_dimension_numbers<[1], [0], [0], [1], [0, 0, 1, 1], [], []>, transpose_lhs_hint = false} : vector<2000x128xf32>, vector<128x64xf32>, vector<2000x64xf32> -> vector<2000x64xf32>
    %get3A_26 = arith.constant 0 : index
    %get3A_27 = arith.constant 0 : index
    %get3A_28 = vector.load %arg6[%get3A_26, %get3A_27] : memref<1x64xf32, #tpu.memory_space<vmem>>, vector<1x64xf32>
    %add3A_29 = vector.broadcast %get3A_28 : vector<1x64xf32> to vector<2000x64xf32>
    %add3A_30 = arith.addf %dot_general3A_25, %add3A_29 : vector<2000x64xf32>
    %max3A = arith.constant 0.000000e+00 : f32
    %max3A_31 = vector.broadcast %max3A : f32 to vector<2000x64xf32>
    %max3A_32 = arith.maximumf %add3A_30, %max3A_31 : vector<2000x64xf32>
    %get3A_33 = arith.constant 0 : index
    %get3A_34 = arith.constant 0 : index
    %get3A_35 = vector.load %arg7[%get3A_33, %get3A_34] : memref<64x2xf32, #tpu.memory_space<vmem>>, vector<64x2xf32>
    %dot_general3A_36 = arith.constant dense<0.000000e+00> : vector<2000x2xf32>
    %dot_general3A_37 = tpu.matmul %max3A_32, %get3A_35, %dot_general3A_36 {dimension_numbers = #tpu.dot_dimension_numbers<[1], [0], [0], [1], [0, 0, 1, 1], [], []>, transpose_lhs_hint = false} : vector<2000x64xf32>, vector<64x2xf32>, vector<2000x2xf32> -> vector<2000x2xf32>
    %get3A_38 = arith.constant 0 : index
    %get3A_39 = arith.constant 0 : index
    %get3A_40 = vector.load %arg8[%get3A_38, %get3A_39] : memref<1x2xf32, #tpu.memory_space<vmem>>, vector<1x2xf32>
    %add3A_41 = vector.broadcast %get3A_40 : vector<1x2xf32> to vector<2000x2xf32>
    %add3A_42 = arith.addf %dot_general3A_37, %add3A_41 : vector<2000x2xf32>
    %swap3A = arith.constant 0 : index
    %swap3A_43 = arith.constant 0 : index
    %swap3A_44 = vector.load %arg9[%swap3A, %swap3A_43] : memref<2000x2xf32, #tpu.memory_space<vmem>>, vector<2000x2xf32>
    tpu.vector_store %arg9[%swap3A, %swap3A_43], %add3A_42 {strides = array<i32>} : memref<2000x2xf32, #tpu.memory_space<vmem>>, vector<2000x2xf32>,
    return
  }
  func.func @transform_0(%arg0: i32) -> (i32, i32, i32) {
    %c0_i32 = arith.constant 0 : i32
    %c0_i32_0 = arith.constant 0 : i32
    %c0_i32_1 = arith.constant 0 : i32
    return %c0_i32, %arg0, %c0_i32_0 : i32, i32, i32
  }
  func.func @transform_1(%arg0: i32) -> (i32, i32) {
    %c0_i32 = arith.constant 0 : i32
    %c0_i32_0 = arith.constant 0 : i32
    return %arg0, %c0_i32 : i32, i32
  }
  func.func @transform_2(%arg0: i32) -> (i32, i32) {
    %c0_i32 = arith.constant 0 : i32
    %c0_i32_0 = arith.constant 0 : i32
    return %arg0, %c0_i32 : i32, i32
  }
  func.func @transform_3(%arg0: i32) -> (i32, i32) {
    %c0_i32 = arith.constant 0 : i32
    %c0_i32_0 = arith.constant 0 : i32
    %c0_i32_1 = arith.constant 0 : i32
    return %c0_i32, %c0_i32_0 : i32, i32
  }
  func.func @transform_4(%arg0: i32) -> (i32, i32) {
    %c0_i32 = arith.constant 0 : i32
    %c0_i32_0 = arith.constant 0 : i32
    %c0_i32_1 = arith.constant 0 : i32
    return %c0_i32, %c0_i32_0 : i32, i32
  }
  func.func @transform_5(%arg0: i32) -> (i32, i32) {
    %c0_i32 = arith.constant 0 : i32
    %c0_i32_0 = arith.constant 0 : i32
    %c0_i32_1 = arith.constant 0 : i32
    return %c0_i32, %c0_i32_0 : i32, i32
  }
  func.func @transform_6(%arg0: i32) -> (i32, i32) {
    %c0_i32 = arith.constant 0 : i32
    %c0_i32_0 = arith.constant 0 : i32
    %c0_i32_1 = arith.constant 0 : i32
    return %c0_i32, %c0_i32_0 : i32, i32
  }
  func.func @transform_7(%arg0: i32) -> (i32, i32) {
    %c0_i32 = arith.constant 0 : i32
    %c0_i32_0 = arith.constant 0 : i32
    %c0_i32_1 = arith.constant 0 : i32
    return %c0_i32, %c0_i32_0 : i32, i32
  }
  func.func @transform_8(%arg0: i32) -> (i32, i32) {
    %c0_i32 = arith.constant 0 : i32
    %c0_i32_0 = arith.constant 0 : i32
    return %arg0, %c0_i32 : i32, i32
  }
}

</mosaic_0001>

<sc_bundles>
// kernel: kernel.12.cloned.1.call-start
scs
__scs_entry_jumppad:
0x0: {  	(pc) =	sbr.rel $0x88, $3  }
0x1: {  	(tag) =	ssettag $0x0;
	lr =	simm.s32 $0x1  }
0x2: {  	[smem:$0x3F97] =	sst lr;
	_ =	strace $0xD0000000  }
0x3: {  	_ = 	snop  }
0x4: {  	_ = 	snop  }
0x5: {  	_ = 	snop  }
0x6: {  	_ = 	snop  }
0x7: {  	_ = 	snop  }
__scs_overlays_trampoline_lowered:
0x8: {  	[smem:$0x3FA6] =	sst s0  }
0x9: {  	[smem:$0x3FA7] =	sst s1  }
0xa: {  	[smem:$0x3FA8] =	sst s2  }
0xb: {  	[smem:$0x3FA9] =	sst s3  }
0xc: {  	[smem:$0x3FAA] =	sst s4  }
0xd: {  	[smem:$0x3FAB] =	sst s5  }
0xe: {  	[smem:$0x3FAC] =	sst s6  }
0xf: {  	[smem:$0x3FAD] =	sst s7  }
0x10: {  	[smem:$0x3FAE] =	sst s8  }
0x11: {  	[smem:$0x3FAF] =	sst s9;
	s0 =	simm.s32 @!p0 $0x0  }
0x12: {  	s1 =	sld [smem:$0x3F95];
	s0 =	simm.s32 @p0 $0x1  }
0x13: {  	[smem:$0x3FB0] =	sst s0;
	s0 =	simm.s32 @!p1 $0x0  }
0x14: {  	s2 =	sld [smem:$0x3F94];
	s0 =	simm.s32 @p1 $0x1  }
0x15: {  	[smem:$0x3FB1] =	sst s0;
	s0 =	simm.s32 @!p2 $0x0  }
0x16: {  	s3 =	sld [smem:$0x3FDB];
	s0 =	simm.s32 @p2 $0x1  }
0x17: {  	s4 =	simm.s32 $0x1BF5;
	[smem:$0x3FB3] =	sst s0  }
0x18: {  	s0 =	sld [smem:$0x3F96];
	_ =	swait.ge [sflag:s4], $0x0  }
0x19: {  	s7 =	sld [smem:$0x3F97]  }
0x1a: {  	s8 =	sadd.s32 $0xFFFFE003, lr  }
0x1b: {  	s9 =	sadd.s32 $0xFFFFFEF7, lr;
	s5 =	simm.s32 $0xFFFFFFFF;
	p2 =	slt.u32 s8, $0xFFFFF086  }
0x1c: {  	p1 =	slt.u32 s9, $0xF7A;
	s5 =	simm.s32 @!p2 $0x0  }
0x1d: {  	s5 =	simm.s32 @p1 $0x1;
	p0 =	seq.s32 s7, s2  }
0x1e: {  	s7 =	smul.u32 @!p0 $0xF7A, s2;
	p2 =	seq.s32 @!p0 s5, $0x0  }
0x1f: {  	s9 =	smul.u32 $0xF7A, s1;
	s8 =	simm.s32 @!p0 $0x1BF5;
	p2 =	por !p2, p0  }
0x20: {  	[sflag:s8] =	ssyncset.s32 @!p0 $0xFFFFF086;
	s6 =	sadd.s32 @!p0 s3, s7;
	s7 =	simm.s32 @!p0 $0x108  }
0x21: {  	s3 =	sadd.s32 s3, s9;
	s6 =	sadd.s32 @!p0 $0x88, s6;
	s7 =	simm.s32 @p2 $0x1082  }
0x22: {  	[simem:s7], [sflag:s8] =	dma.local @!p0 [hbm:s6], $0xF7A  }
0x23: {  	s9 =	sor.u32 $0xD0000000, s2;
	s6 =	simm.s32 $0x108;
	_ =	swait.ge @!p0 [sflag:s8], $0x0  }
0x24: {  	s3 =	sadd.s32 $0x88, s3;
	s6 =	simm.s32 @!p1 $0x1082;
	[sflag:s4] =	ssyncset.s32 $0xFFFFF086  }
0x25: {  	[simem:s6], [sflag:s4] =	dma.local [hbm:s3], $0xF7A  }
0x26: {  	[smem:$0x3F97] =	sst s1;
	(tag) =	ssettag s2;
	_ =	strace s9  }
0x27: {  	s1 =	sld [smem:$0x3FA7]  }
0x28: {  	s2 =	sld [smem:$0x3FA8]  }
0x29: {  	s4 =	sld [smem:$0x3FAA]  }
0x2a: {  	p0 =	seq.s32 s5, $0x0;
	s5 =	sld [smem:$0x3FAB]  }
0x2b: {  	s6 =	sld [smem:$0x3FAC]  }
0x2c: {  	s7 =	sld [smem:$0x3FAD]  }
0x2d: {  	s3 =	simm.s32 $0x108;
	s8 =	sld [smem:$0x3FAE]  }
0x2e: {  	s3 =	simm.s32 @!p0 $0x1082;
	s9 =	sld [smem:$0x3FAF]  }
0x2f: {  	lr =	sadd.s32 s0, s3;
	s0 =	sld [smem:$0x3FA6]  }
0x30: {  	s3 =	sld [smem:$0x3FA9]  }
0x31: {  	[smem:$0x3FB2] =	sst s10  }
0x32: {  	s10 =	sld [smem:$0x3FB0];
	_ =	sdelay $0x3  }
0x33: {  	p0 =	seq.s32 s10, $0x1;
	s10 =	sld [smem:$0x3FB2];
	_ =	sdelay $0x3  }
0x34: {  	[smem:$0x3FB2] =	sst s10  }
0x35: {  	s10 =	sld [smem:$0x3FB1];
	_ =	sdelay $0x3  }
0x36: {  	p1 =	seq.s32 s10, $0x1;
	s10 =	sld [smem:$0x3FB2];
	_ =	sdelay $0x3  }
0x37: {  	[smem:$0x3FB2] =	sst s10  }
0x38: {  	s10 =	sld [smem:$0x3FB3]  }
0x39: {  	_ = 	snop;
	(pc) =	sbr.ind lr, $3  }
0x3a: {  	_ = 	snop  }
0x3b: {  	_ = 	snop  }
0x3c: {  	p2 =	seq.s32 s10, $0x1;
	s10 =	sld [smem:$0x3FB2]  }
0x3d: {  	_ =	shalt  }
0x3e: {  	_ =	shalt  }
0x3f: {  	_ =	shalt  }
0x40: {  	_ =	shalt  }
0x41: {  	_ =	shalt  }
0x42: {  	_ =	shalt  }
0x43: {  	_ =	shalt  }
0x44: {  	_ =	shalt  }
0x45: {  	_ =	shalt  }
0x46: {  	_ =	shalt  }
0x47: {  	_ =	shalt  }
0x48: {  	_ =	shalt  }
0x49: {  	_ =	shalt  }
0x4a: {  	_ =	shalt  }
0x4b: {  	_ =	shalt  }
0x4c: {  	_ =	shalt  }
0x4d: {  	_ =	shalt  }
0x4e: {  	_ =	shalt  }
0x4f: {  	_ =	shalt  }
0x50: {  	_ =	shalt  }
0x51: {  	_ =	shalt  }
0x52: {  	_ =	shalt  }
0x53: {  	_ =	shalt  }
0x54: {  	_ =	shalt  }
0x55: {  	_ =	shalt  }
0x56: {  	_ =	shalt  }
0x57: {  	_ =	shalt  }
0x58: {  	_ =	shalt  }
0x59: {  	_ =	shalt  }
0x5a: {  	_ =	shalt  }
0x5b: {  	_ =	shalt  }
0x5c: {  	_ =	shalt  }
0x5d: {  	_ =	shalt  }
0x5e: {  	_ =	shalt  }
0x5f: {  	_ =	shalt  }
0x60: {  	_ =	shalt  }
0x61: {  	_ =	shalt  }
0x62: {  	_ =	shalt  }
0x63: {  	_ =	shalt  }
0x64: {  	_ =	shalt  }
0x65: {  	_ =	shalt  }
0x66: {  	_ =	shalt  }
0x67: {  	_ =	shalt  }
0x68: {  	_ =	shalt  }
0x69: {  	_ =	shalt  }
0x6a: {  	_ =	shalt  }
0x6b: {  	_ =	shalt  }
0x6c: {  	_ =	shalt  }
0x6d: {  	_ =	shalt  }
0x6e: {  	_ =	shalt  }
0x6f: {  	_ =	shalt  }
0x70: {  	_ =	shalt  }
0x71: {  	_ =	shalt  }
0x72: {  	_ =	shalt  }
0x73: {  	_ =	shalt  }
0x74: {  	_ =	shalt  }
0x75: {  	_ =	shalt  }
0x76: {  	_ =	shalt  }
0x77: {  	_ =	shalt  }
0x78: {  	_ =	shalt  }
0x79: {  	_ =	shalt  }
0x7a: {  	_ =	shalt  }
0x7b: {  	_ =	shalt  }
0x7c: {  	_ =	shalt  }
0x7d: {  	_ =	shalt  }
0x7e: {  	_ =	shalt  }
0x7f: {  	_ =	shalt  }
0x80: {  	_ =	shalt  }
0x81: {  	_ =	shalt  }
0x82: {  	_ =	shalt  }
0x83: {  	_ =	shalt  }
0x84: {  	_ =	shalt  }
0x85: {  	_ =	shalt  }
0x86: {  	_ =	shalt  }
0x87: {  	_ =	shalt  }
.Lfunc_end0:
.L_simem_size_0:
called_computation.1_lowered:
.L_overlay_start_0:
0x88: {  	s2 =	sld [smem:$0x3FD9]  }
0x89: {  	s3 =	sld [smem:$0x3FFE];
	_ =	sdelay $0x1  }
0x8a: {  	s1 =	srdreg.scid  }
0x8b: {  	s0 =	sand.u32 $0x1, s1  }
0x8c: {  	s16 =	sshll.u32 s0, $0xA;
	s2 =	sadd.s32 s3, s2  }
0x8d: {  	s2 =	sadd.s32 s2, s16  }
0x8e: {  	[smem:$0x3FBE] =	sst s2  }
0x8f: {  	_ = 	snop  }
0x90: {  	(tm) =	ssettm $0x1  }
0x91: {  	s17 =	sld [smem:$0x3FFB];
	_ =	sdelay $0x3  }
0x92: {  	_ =	strace s17  }
0x93: {  	s2 =	sld [smem:$0x3FFC];
	_ =	sdelay $0x3  }
0x94: {  	_ =	strace s2  }
0x95: {  	s2 =	sld [smem:$0x3FFD];
	_ =	sdelay $0x3  }
0x96: {  	_ =	strace s2  }
0x97: {  	_ =	strace $0x8FFFFFFF  }
0x98: {  	s18 =	sld [smem:$0x3FDB];
	_ =	sdelay $0x1  }
0x99: {  	s19 =	simm.s32 $_scs_section_size  }
0x9a: {  	s4 =	simm.s32 $_size__tile_overlayer_lowered;
	s5 =	simm.s32 $_tile_overlayer_lowered  }
0x9b: {  	s22 =	simm.s32 $0x1BFF;
	s21 =	sshll.u32 s5, $0x1;
	s2 =	sadd.s32 s19, s18  }
0x9c: {  	s6 =	simm.s32 $0x0;
	s20 =	sshll.u32 s4, $0x1;
	s4 =	sadd.s32 s21, s2  }
0x9d: {  	[timem:s6], [sflag:s22] =	dma.local [hbm:s4], s20  }
0x9e: {  	_ =	swait.ge [sflag:s22], s20  }
0x9f: {  	s3 =	ssub.s32 $0x0, s20;
	[sflag:s22] =	ssyncset.done $0x0  }
0xa0: {  	[sflag:s22] =	ssyncadd.s32 s3;
	_ =	sdelay $0x1  }
0xa1: {  	s23 =	simm.s32 $0x1B8B  }
0xa2: {  	_ =	swait.ge [sflag:s23], $0x1  }
0xa3: {  	[sflag:s23] =	ssyncset.done $0x0  }
0xa4: {  	s25 =	simm.s32 $0x1B8E;
	s24 =	sld [smem:$0x3FFE];
	[sflag:s23] =	ssyncadd.s32 $0xFFFFFFFF  }
0xa5: {  	s26 =	simm.s32 $execute0_lowered;
	[smem:$0x3FD2] =	sst s25  }
0xa6: {  	s4 =	sshll.u32 s26, $0x1;
	_ =	strace $0x80000049;
	[dreg:$0x1] =	wrdreg $0xFFFFFFFF  }
0xa7: {  	s28 =	simm.s32 $_size_execute0_lowered;
	s2 =	sadd.s32 s2, s4;
	[dreg:$0x0] =	wrdreg $0x0  }
0xa8: {  	s4 =	sshll.u32 s28, $0x1;
	[dreg:$0x2] =	wrdreg s2  }
0xa9: {  	[dreg:$0x3] =	wrdreg s4  }
0xaa: {  	[dreg:$0x4] =	wrdreg $0xC0  }
0xab: {  	_ =	task [dreg:s6], $0x5FFFF  }
0xac: {  	[dreg:$0x1] =	wrdreg $0xFFFFFFFF  }
0xad: {  	[dreg:$0x0] =	wrdreg $0x60  }
0xae: {  	[dreg:$0x2] =	wrdreg s24  }
0xaf: {  	[dreg:$0x3] =	wrdreg $0xA8000  }
0xb0: {  	[dreg:$0x4] =	wrdreg $0x9  }
0xb1: {  	_ =	task.clear_ibuf [dreg:s6], $0x5FFFF;
	_ =	strace $0x90000049  }
0xb2: {  	s29 =	simm.s32 $0x9;
	_ =	strace $0x8000004B  }
0xb3: {  	_ =	swait.ge [sflag:s29], $0x1  }
0xb4: {  	[sflag:s29] =	ssyncadd.s32 $0xFFFFFFFF  }
0xb5: {  	_ =	strace $0x9000004B  }
0xb6: {  	_ =	sfence  }
0xb7: {  	s30 =	sld [smem:$0x0];
	_ =	sdelay $0x2  }
0xb8: {  	s31 =	sshll.u32 s1, $0xD;
	s1 =	sshrl.u32 s1, $0x2  }
0xb9: {  	s3 =	sand.u32 $0x4000, s31;
	s1 =	sadd.s32 s1, s30  }
0xba: {  	s0 =	sor.u32 s3, s0;
	s1 =	sshll.u32 s1, $0x11  }
0xbb: {  	s0 =	sor.u32 s1, s0  }
0xbc: {  	s0 =	sadd.s32 $0x8F2B, s0  }
0xbd: {  	[sflag:s0] =	ssyncadd.remote.s32 $0x1  }
0xbe: {  	_ =	sfence.sel $0xFFFF  }
0xbf: {  	[dreg:$0x0] =	wrdreg $0xFFFFFFFF;
	(pc) =	sbr.abs _section_cstart, $3  }
0xc0: {  	[dreg:$0x1] =	wrdreg $0xFFFFFFFF  }
0xc1: {  	_ =	task.clear_ibuf [dreg:s6], $0x2FFFF;
	_ =	strace $0x9FFFFFFF  }
0xc2: {  	(tm) =	ssettm $0x7FFFFFFF  }
0xc3: {  	_ =	shalt  }
tec
execute0_lowered:
.L_overlay_start_1:
0x0: {  	(tag) =	ssettag $0x1  }
0x1: {  	s5 =	rddreg [dreg:$0x0]  }
0x2: {  	s2 =	rddreg [dreg:$0x1]  }
0x3: {  	s0 =	srdreg.scid;
	s1 =	rddreg [dreg:$0x2]  }
0x4: {  	s3 =	simm.s32 $0x0;
	s14 =	simm.s32 $0x3;
	s15 =	simm.s32 $0x1400  }
0x5: {  	s16 =	simm.s32 $0x80;
	s17 =	simm.s32 $0x2800;
	s18 =	simm.s32 $0x6800  }
0x6: {  	s19 =	simm.s32 $0x1;
	s20 =	simm.s32 $0x2;
	s6 =	sand.u32 $0x1, s0  }
0x7: {  	s21 =	simm.s32 $0x1380;
	s0 =	stileid.u32;
	s4 =	smul.u32 $0x28000, s6  }
0x8: {  	s22 =	simm.s32 $0x2700;
	s23 =	simm.s32 $0x2780;
	s7 =	smul.u32 $0x2800, s0  }
0x9: {  	s24 =	simm.s32 $0x0;
	[smem:$0x7FF] =	sst s3;
	s8 =	smul.u32 $0x14000, s0  }
0xa: {  	s9 =	smul.u32 $0x140000, s6;
	_ =	strace $0x8000004A;
	s6 =	ssub.s32 $0x2, s6  }
0xb: {  	s28 =	smul.u32 $0x50000, s0;
	s31 =	sshll.u32 s0, $0x6;
	s29 =	sshrl.u32 s6, $0x1  }
0xc: {  	s7 =	sadd.s32 s7, s4;
	s4 =	sadd.s32 $0x16E00, s5;
	s26 =	sshrl.u32 s8, $0x3  }
0xd: {  	s8 =	sadd.s32 s8, s9;
	s12 =	ssub.s32 s6, s29;
	s30 =	sshrl.u32 s28, $0x2  }
0xe: {  	s6 =	sor.u32 $0x1C03, s31;
	s7 =	sshrl.u32 s7, $0x3;
	s8 =	sshrl.u32 s8, $0x3  }
0xf: {  	s13 =	sadd.s32 s30, s2;
	s12 =	smax.u32 s12, $0x1;
	s10 =	sadd.s32 s7, s5  }
0x10: {  	s7 =	sadd.s32 s26, s5;
	s11 =	sadd.s32 s8, s5;
	s13 =	sshrl.u32 s13, $0x3  }
0x11: {  	s5 =	sadd.s32 $0x3E000, s7;
	s7 =	sadd.s32 $0x2E00, s10;
	s8 =	sadd.s32 $0xCE00, s10  }
0x12: {  	s9 =	sadd.s32 $0x3080, s10;
	s10 =	sadd.s32 $0xD080, s10;
	s11 =	sadd.s32 $0x66000, s11  }
.LBB2_1:
0x13: {  	[spmem:s13], [sflag:s6] =	dma.local [hbm:s5], $0x2800  }
0x14: {  	_ =	swait.ge [sflag:s14], $0x2800  }
0x15: {  	[sflag:s14] =	ssyncset.done $0x0  }
0x16: {  	[sflag:s14] =	ssyncadd.s32 $0xFFFFD800  }
0x17: {  	[bflag:$0x0] =	sbarrier.arrive $0xFFFF  }
0x18: {  	[tilespmem:s3], [sflag:$0x3] =	stream.linear.gather [hbm4b:s7+s3], $0x1400, $0x38;
	[tilespmem:$0x1E800] =	vst v63  }
0x19: {  	_ =	swait.ge [sflag:s14], $0x1400  }
0x1a: {  	[sflag:s14] =	ssyncset.done $0x0  }
0x1b: {  	[sflag:s14] =	ssyncadd.s32 $0xFFFFEC00  }
0x1c: {  	[tilespmem:s15], [sflag:$0x3] =	stream.linear.gather [hbm4b:s8+s3], $0x1400, $0x38;
	[tilespmem:$0x1E800] =	vst v63  }
0x1d: {  	_ =	swait.ge [sflag:s14], $0x1400  }
0x1e: {  	[sflag:s14] =	ssyncset.done $0x0  }
0x1f: {  	[sflag:s14] =	ssyncadd.s32 $0xFFFFEC00  }
0x20: {  	[tilespmem:s17], [sflag:$0x1] =	stream.indirect.gather [hbm4b:s4+s16], $0x80, s3, s16, $0xb8;
	[tilespmem:$0x1E800] =	vst v63  }
0x21: {  	s25 =	simm.s32 $0x80  }
0x22: {  	[tilespmem:s18], [sflag:$0x2] =	stream.indirect.gather [hbm4b:s4+s16], $0x80, s25, s16, $0xb8;
	[tilespmem:$0x1E800] =	vst v63  }
0x23: {  	_ =	swait.ge [sflag:s19], $0x4000  }
0x24: {  	[sflag:s19] =	ssyncset.done $0x0  }
0x25: {  	s29 =	simm.s32 $0x1400;
	[sflag:s19] =	ssyncadd.s32 $0xFFFFC000  }
0x26: {  	[spmem:s2] =	stream.indirect.scatter.add.f32 [tilespmem:s17], [sflag:$0x3], $0x80, s29, s16, $0xb8;
	[tilespmem:$0x1E800] =	vst v63  }
0x27: {  	_ =	swait.ge [sflag:s14], $0x4000  }
0x28: {  	[sflag:s14] =	ssyncset.done $0x0  }
0x29: {  	s30 =	simm.s32 $0x100;
	[sflag:s14] =	ssyncadd.s32 $0xFFFFC000  }
0x2a: {  	[tilespmem:s17], [sflag:$0x1] =	stream.indirect.gather [hbm4b:s4+s16], $0x80, s30, s16, $0xb8;
	[tilespmem:$0x1E800] =	vst v63  }
0x2b: {  	_ =	swait.ge [sflag:s20], $0x4000  }
0x2c: {  	[sflag:s20] =	ssyncset.done $0x0  }
0x2d: {  	s31 =	simm.s32 $0x1480;
	[sflag:s20] =	ssyncadd.s32 $0xFFFFC000  }
0x2e: {  	[spmem:s2] =	stream.indirect.scatter.add.f32 [tilespmem:s18], [sflag:$0x3], $0x80, s31, s16, $0xb8;
	[tilespmem:$0x1E800] =	vst v63  }
0x2f: {  	_ =	swait.ge [sflag:s14], $0x4000  }
0x30: {  	s26 =	simm.s32 $0x800;
	s25 =	simm.s32 $0x100;
	[sflag:s14] =	ssyncset.done $0x0  }
.LBB2_2:
0x31: {  	s28 =	sadd.s32 $0x80, s25  }
0x32: {  	[sflag:s14] =	ssyncadd.s32 $0xFFFFC000;
	s29 =	smov.u32 s26;
	s30 =	sadd.s32 $0x400, s26  }
0x33: {  	[tilespmem:s18], [sflag:$0x2] =	stream.indirect.gather [hbm4b:s4+s16], $0x80, s28, s16, $0xb8;
	[tilespmem:$0x1E800] =	vst v63  }
0x34: {  	p0 =	sne.s32 s26, $0x4800;
	_ =	swait.ge [sflag:s19], $0x4000  }
0x35: {  	[sflag:s19] =	ssyncset.done $0x0  }
0x36: {  	s26 =	sadd.s32 $0x1400, s25;
	[sflag:s19] =	ssyncadd.s32 $0xFFFFC000  }
0x37: {  	[spmem:s2] =	stream.indirect.scatter.add.f32 [tilespmem:s17], [sflag:$0x3], $0x80, s26, s16, $0xb8;
	[tilespmem:$0x1E800] =	vst v63  }
0x38: {  	_ =	swait.ge [sflag:s14], $0x4000  }
0x39: {  	[sflag:s14] =	ssyncset.done $0x0  }
0x3a: {  	s26 =	sadd.s32 $0x100, s25;
	[sflag:s14] =	ssyncadd.s32 $0xFFFFC000  }
0x3b: {  	[tilespmem:s17], [sflag:$0x1] =	stream.indirect.gather [hbm4b:s4+s16], $0x80, s26, s16, $0xb8;
	[tilespmem:$0x1E800] =	vst v63  }
0x3c: {  	_ =	swait.ge [sflag:s20], $0x4000  }
.Ltmp0:
0x3d: {  	[sflag:s20] =	ssyncset.done $0x0;
	(pc) =	sbr.rel @p0 .LBB2_2-.Ltmp0, $4  }
0x3e: {  	s25 =	sadd.s32 $0x1480, s25;
	[sflag:s20] =	ssyncadd.s32 $0xFFFFC000  }
0x3f: {  	[spmem:s2] =	stream.indirect.scatter.add.f32 [tilespmem:s18], [sflag:$0x3], $0x80, s25, s16, $0xb8;
	[tilespmem:$0x1E800] =	vst v63  }
0x40: {  	_ =	swait.ge [sflag:s14], $0x4000  }
0x41: {  	s26 =	smov.u32 s30;
	s25 =	sshra.s32 s29, $0x2;
	[sflag:s14] =	ssyncset.done $0x0  }
0x42: {  	s26 =	sadd.s32 $0x80, s25;
	[sflag:s14] =	ssyncadd.s32 $0xFFFFC000  }
0x43: {  	[tilespmem:s18], [sflag:$0x2] =	stream.indirect.gather [hbm4b:s4+s16], $0x80, s26, s16, $0xb8;
	[tilespmem:$0x1E800] =	vst v63  }
0x44: {  	_ =	swait.ge [sflag:s19], $0x4000  }
0x45: {  	[sflag:s19] =	ssyncset.done $0x0  }
0x46: {  	s29 =	sadd.s32 $0x1400, s25;
	[sflag:s19] =	ssyncadd.s32 $0xFFFFC000  }
0x47: {  	[spmem:s2] =	stream.indirect.scatter.add.f32 [tilespmem:s17], [sflag:$0x3], $0x80, s29, s16, $0xb8;
	[tilespmem:$0x1E800] =	vst v63  }
0x48: {  	_ =	swait.ge [sflag:s14], $0x4000  }
0x49: {  	[sflag:s14] =	ssyncset.done $0x0  }
0x4a: {  	s30 =	sadd.s32 $0x100, s25;
	[sflag:s14] =	ssyncadd.s32 $0xFFFFC000  }
0x4b: {  	[tilespmem:s17], [sflag:$0x1] =	stream.indirect.gather [hbm4b:s4+s16], $0x80, s30, s16, $0xb8;
	[tilespmem:$0x1E800] =	vst v63  }
0x4c: {  	_ =	swait.ge [sflag:s20], $0x4000  }
0x4d: {  	[sflag:s20] =	ssyncset.done $0x0  }
0x4e: {  	s31 =	sadd.s32 $0x1480, s25;
	[sflag:s20] =	ssyncadd.s32 $0xFFFFC000  }
0x4f: {  	[spmem:s2] =	stream.indirect.scatter.add.f32 [tilespmem:s18], [sflag:$0x3], $0x80, s31, s16, $0xb8;
	[tilespmem:$0x1E800] =	vst v63  }
0x50: {  	_ =	swait.ge [sflag:s14], $0x4000  }
0x51: {  	[sflag:s14] =	ssyncset.done $0x0  }
0x52: {  	[sflag:s14] =	ssyncadd.s32 $0xFFFFC000  }
0x53: {  	[tilespmem:s18], [sflag:$0x2] =	stream.indirect.gather [hbm4b:s4+s16], $0x80, s21, s16, $0xb8;
	[tilespmem:$0x1E800] =	vst v63  }
0x54: {  	_ =	swait.ge [sflag:s19], $0x4000  }
0x55: {  	[sflag:s19] =	ssyncset.done $0x0  }
0x56: {  	[sflag:s19] =	ssyncadd.s32 $0xFFFFC000  }
0x57: {  	[spmem:s2] =	stream.indirect.scatter.add.f32 [tilespmem:s17], [sflag:$0x3], $0x80, s22, s16, $0xb8;
	[tilespmem:$0x1E800] =	vst v63  }
0x58: {  	_ =	swait.ge [sflag:s14], $0x4000  }
0x59: {  	[sflag:s14] =	ssyncset.done $0x0  }
0x5a: {  	[sflag:s14] =	ssyncadd.s32 $0xFFFFC000  }
0x5b: {  	_ =	swait.ge [sflag:s20], $0x4000  }
0x5c: {  	[sflag:s20] =	ssyncset.done $0x0  }
0x5d: {  	[sflag:s20] =	ssyncadd.s32 $0xFFFFC000  }
0x5e: {  	[spmem:s2] =	stream.indirect.scatter.add.f32 [tilespmem:s18], [sflag:$0x3], $0x80, s23, s16, $0xb8;
	[tilespmem:$0x1E800] =	vst v63  }
0x5f: {  	_ =	swait.ge [sflag:s14], $0x4000  }
0x60: {  	[sflag:s14] =	ssyncset.done $0x0  }
0x61: {  	s26 =	simm.s32 $0x0;
	[sflag:s14] =	ssyncadd.s32 $0xFFFFC000  }
0x62: {  	[tilespmem:s26], [sflag:$0x3] =	stream.linear.gather [hbm4b:s9+s26], $0x1400, $0x38;
	[tilespmem:$0x1E800] =	vst v63  }
0x63: {  	_ =	swait.ge [sflag:s14], $0x1400  }
0x64: {  	[sflag:s14] =	ssyncset.done $0x0  }
0x65: {  	[sflag:s14] =	ssyncadd.s32 $0xFFFFEC00  }
0x66: {  	[tilespmem:s15], [sflag:$0x3] =	stream.linear.gather [hbm4b:s10+s26], $0x1400, $0x38;
	[tilespmem:$0x1E800] =	vst v63  }
0x67: {  	_ =	swait.ge [sflag:s14], $0x1400  }
0x68: {  	[sflag:s14] =	ssyncset.done $0x0  }
0x69: {  	[sflag:s14] =	ssyncadd.s32 $0xFFFFEC00  }
0x6a: {  	[tilespmem:s17], [sflag:$0x1] =	stream.indirect.gather [hbm4b:s4+s16], $0x80, s26, s16, $0xb8;
	[tilespmem:$0x1E800] =	vst v63  }
0x6b: {  	s28 =	simm.s32 $0x80  }
0x6c: {  	[tilespmem:s18], [sflag:$0x2] =	stream.indirect.gather [hbm4b:s4+s16], $0x80, s28, s16, $0xb8;
	[tilespmem:$0x1E800] =	vst v63  }
0x6d: {  	_ =	swait.ge [sflag:s19], $0x4000  }
0x6e: {  	[sflag:s19] =	ssyncset.done $0x0  }
0x6f: {  	s29 =	simm.s32 $0x1400;
	[sflag:s19] =	ssyncadd.s32 $0xFFFFC000  }
0x70: {  	[spmem:s2] =	stream.indirect.scatter.add.f32 [tilespmem:s17], [sflag:$0x3], $0x80, s29, s16, $0xb8;
	[tilespmem:$0x1E800] =	vst v63  }
0x71: {  	_ =	swait.ge [sflag:s14], $0x4000  }
0x72: {  	[sflag:s14] =	ssyncset.done $0x0  }
0x73: {  	s30 =	simm.s32 $0x100;
	[sflag:s14] =	ssyncadd.s32 $0xFFFFC000  }
0x74: {  	[tilespmem:s17], [sflag:$0x1] =	stream.indirect.gather [hbm4b:s4+s16], $0x80, s30, s16, $0xb8;
	[tilespmem:$0x1E800] =	vst v63  }
0x75: {  	_ =	swait.ge [sflag:s20], $0x4000  }
0x76: {  	[sflag:s20] =	ssyncset.done $0x0  }
0x77: {  	s31 =	simm.s32 $0x1480;
	[sflag:s20] =	ssyncadd.s32 $0xFFFFC000  }
0x78: {  	[spmem:s2] =	stream.indirect.scatter.add.f32 [tilespmem:s18], [sflag:$0x3], $0x80, s31, s16, $0xb8;
	[tilespmem:$0x1E800] =	vst v63  }
0x79: {  	_ =	swait.ge [sflag:s14], $0x4000  }
0x7a: {  	s25 =	simm.s32 $0x100;
	s26 =	simm.s32 $0x800;
	[sflag:s14] =	ssyncset.done $0x0  }
.LBB2_4:
0x7b: {  	s28 =	sadd.s32 $0x80, s25  }
0x7c: {  	[sflag:s14] =	ssyncadd.s32 $0xFFFFC000;
	s29 =	smov.u32 s26;
	s30 =	sadd.s32 $0x400, s26  }
0x7d: {  	[tilespmem:s18], [sflag:$0x2] =	stream.indirect.gather [hbm4b:s4+s16], $0x80, s28, s16, $0xb8;
	[tilespmem:$0x1E800] =	vst v63  }
0x7e: {  	p0 =	sne.s32 s26, $0x4800;
	_ =	swait.ge [sflag:s19], $0x4000  }
0x7f: {  	[sflag:s19] =	ssyncset.done $0x0  }
0x80: {  	s26 =	sadd.s32 $0x1400, s25;
	[sflag:s19] =	ssyncadd.s32 $0xFFFFC000  }
0x81: {  	[spmem:s2] =	stream.indirect.scatter.add.f32 [tilespmem:s17], [sflag:$0x3], $0x80, s26, s16, $0xb8;
	[tilespmem:$0x1E800] =	vst v63  }
0x82: {  	_ =	swait.ge [sflag:s14], $0x4000  }
0x83: {  	[sflag:s14] =	ssyncset.done $0x0  }
0x84: {  	s26 =	sadd.s32 $0x100, s25;
	[sflag:s14] =	ssyncadd.s32 $0xFFFFC000  }
0x85: {  	[tilespmem:s17], [sflag:$0x1] =	stream.indirect.gather [hbm4b:s4+s16], $0x80, s26, s16, $0xb8;
	[tilespmem:$0x1E800] =	vst v63  }
0x86: {  	_ =	swait.ge [sflag:s20], $0x4000  }
.Ltmp1:
0x87: {  	[sflag:s20] =	ssyncset.done $0x0;
	(pc) =	sbr.rel @p0 .LBB2_4-.Ltmp1, $4  }
0x88: {  	s25 =	sadd.s32 $0x1480, s25;
	[sflag:s20] =	ssyncadd.s32 $0xFFFFC000  }
0x89: {  	[spmem:s2] =	stream.indirect.scatter.add.f32 [tilespmem:s18], [sflag:$0x3], $0x80, s25, s16, $0xb8;
	[tilespmem:$0x1E800] =	vst v63  }
0x8a: {  	_ =	swait.ge [sflag:s14], $0x4000  }
0x8b: {  	s26 =	smov.u32 s30;
	s25 =	sshra.s32 s29, $0x2;
	[sflag:s14] =	ssyncset.done $0x0  }
0x8c: {  	s26 =	sadd.s32 $0x80, s25;
	[sflag:s14] =	ssyncadd.s32 $0xFFFFC000  }
0x8d: {  	[tilespmem:s18], [sflag:$0x2] =	stream.indirect.gather [hbm4b:s4+s16], $0x80, s26, s16, $0xb8;
	[tilespmem:$0x1E800] =	vst v63  }
0x8e: {  	_ =	swait.ge [sflag:s19], $0x4000  }
0x8f: {  	[sflag:s19] =	ssyncset.done $0x0  }
0x90: {  	s29 =	sadd.s32 $0x1400, s25;
	[sflag:s19] =	ssyncadd.s32 $0xFFFFC000  }
0x91: {  	[spmem:s2] =	stream.indirect.scatter.add.f32 [tilespmem:s17], [sflag:$0x3], $0x80, s29, s16, $0xb8;
	[tilespmem:$0x1E800] =	vst v63  }
0x92: {  	_ =	swait.ge [sflag:s14], $0x4000  }
0x93: {  	[sflag:s14] =	ssyncset.done $0x0  }
0x94: {  	s30 =	sadd.s32 $0x100, s25;
	[sflag:s14] =	ssyncadd.s32 $0xFFFFC000  }
0x95: {  	[tilespmem:s17], [sflag:$0x1] =	stream.indirect.gather [hbm4b:s4+s16], $0x80, s30, s16, $0xb8;
	[tilespmem:$0x1E800] =	vst v63  }
0x96: {  	_ =	swait.ge [sflag:s20], $0x4000  }
0x97: {  	[sflag:s20] =	ssyncset.done $0x0  }
0x98: {  	s31 =	sadd.s32 $0x1480, s25;
	[sflag:s20] =	ssyncadd.s32 $0xFFFFC000  }
0x99: {  	[spmem:s2] =	stream.indirect.scatter.add.f32 [tilespmem:s18], [sflag:$0x3], $0x80, s31, s16, $0xb8;
	[tilespmem:$0x1E800] =	vst v63  }
0x9a: {  	_ =	swait.ge [sflag:s14], $0x4000  }
0x9b: {  	[sflag:s14] =	ssyncset.done $0x0  }
0x9c: {  	[sflag:s14] =	ssyncadd.s32 $0xFFFFC000  }
0x9d: {  	[tilespmem:s18], [sflag:$0x2] =	stream.indirect.gather [hbm4b:s4+s16], $0x80, s21, s16, $0xb8;
	[tilespmem:$0x1E800] =	vst v63  }
0x9e: {  	_ =	swait.ge [sflag:s19], $0x4000  }
0x9f: {  	[sflag:s19] =	ssyncset.done $0x0  }
0xa0: {  	[sflag:s19] =	ssyncadd.s32 $0xFFFFC000  }
0xa1: {  	[spmem:s2] =	stream.indirect.scatter.add.f32 [tilespmem:s17], [sflag:$0x3], $0x80, s22, s16, $0xb8;
	[tilespmem:$0x1E800] =	vst v63  }
0xa2: {  	_ =	swait.ge [sflag:s14], $0x4000  }
0xa3: {  	[sflag:s14] =	ssyncset.done $0x0  }
0xa4: {  	[sflag:s14] =	ssyncadd.s32 $0xFFFFC000  }
0xa5: {  	_ =	swait.ge [sflag:s20], $0x4000  }
0xa6: {  	[sflag:s20] =	ssyncset.done $0x0  }
0xa7: {  	[sflag:s20] =	ssyncadd.s32 $0xFFFFC000  }
0xa8: {  	[spmem:s2] =	stream.indirect.scatter.add.f32 [tilespmem:s18], [sflag:$0x3], $0x80, s23, s16, $0xb8;
	[tilespmem:$0x1E800] =	vst v63  }
0xa9: {  	_ =	swait.ge [sflag:s14], $0x4000  }
0xaa: {  	s24 =	sadd.s32 $0x1, s24;
	[sflag:s14] =	ssyncset.done $0x0  }
0xab: {  	p0 =	sne.s32 s24, s12;
	[sflag:s14] =	ssyncadd.s32 $0xFFFFC000  }
.Ltmp2:
0xac: {  	[bflag:$0x0] =	sbarrier.arrive $0xFFFF;
	(pc) =	sbr.rel @p0 .LBB2_1-.Ltmp2, $4  }
0xad: {  	[hbm:s11], [sflag:s6] =	dma.local [spmem:s13], $0x2800  }
0xae: {  	_ =	swait.ge [sflag:s14], $0x2800  }
0xaf: {  	[sflag:s14] =	ssyncset.done $0x0  }
0xb0: {  	[sflag:s14] =	ssyncadd.s32 $0xFFFFD800  }
0xb1: {  	_ =	sfence.sel $0x180000  }
0xb2: {  	[bflag:$0x0] =	sbarrier.arrive $0xFFFF  }
0xb3: {  	p0 =	sne.s32 s0, $0x0;
	_ =	strace $0x9000004A  }
0xb4: {  	s0 =	sadd.s32 @!p0 $0x100000, s1;
	[bflag:$0x2] =	sbarrier.arrive $0xFFFF  }
0xb5: {  	[sflag:s0] =	ssyncadd.tile.s32 @!p0 $0x1;
	_ =	shalt  }
.Lfunc_end2:
_tile_overlayer_lowered:
.L_overlay_start_2:
0xb6: {  	(tag) =	ssettag $0x2  }
0xb7: {  	s0 =	rddreg [dreg:$0x0];
	s2 =	stileid.u32  }
0xb8: {  	s1 =	rddreg [dreg:$0x1];
	p0 =	sne.s32 s2, $0x0  }
0xb9: {  	s3 =	rddreg [dreg:$0x2];
	[bflag:$0x3] =	sbarrier.arrive $0xFFFF;
	s2 =	simm.s32 @!p0 $0x1C03  }
0xba: {  	[timem:s3], [sflag:s2] =	dma.local @!p0 [hbm:s0], s1  }
0xbb: {  	s0 =	simm.s32 @!p0 $0x3  }
0xbc: {  	_ =	swait.ge @!p0 [sflag:s0], s1  }
0xbd: {  	s1 =	ssub.s32 @!p0 $0x0, s1;
	[sflag:s0] =	ssyncset.done @!p0 $0x0  }
0xbe: {  	[sflag:s0] =	ssyncadd.s32 @!p0 s1  }
0xbf: {  	[bflag:$0x3] =	sbarrier.arrive $0xFFFF  }
0xc0: {  	_ =	shalt  }

// kernel: kernel.15.cloned.1.call-start
scs
__scs_entry_jumppad:
0x0: {  	(pc) =	sbr.rel $0x88, $3  }
0x1: {  	(tag) =	ssettag $0x0;
	lr =	simm.s32 $0x1  }
0x2: {  	[smem:$0x3F97] =	sst lr;
	_ =	strace $0xD0000000  }
0x3: {  	_ = 	snop  }
0x4: {  	_ = 	snop  }
0x5: {  	_ = 	snop  }
0x6: {  	_ = 	snop  }
0x7: {  	_ = 	snop  }
__scs_overlays_trampoline_lowered:
0x8: {  	[smem:$0x3FA6] =	sst s0  }
0x9: {  	[smem:$0x3FA7] =	sst s1  }
0xa: {  	[smem:$0x3FA8] =	sst s2  }
0xb: {  	[smem:$0x3FA9] =	sst s3  }
0xc: {  	[smem:$0x3FAA] =	sst s4  }
0xd: {  	[smem:$0x3FAB] =	sst s5  }
0xe: {  	[smem:$0x3FAC] =	sst s6  }
0xf: {  	[smem:$0x3FAD] =	sst s7  }
0x10: {  	[smem:$0x3FAE] =	sst s8  }
0x11: {  	[smem:$0x3FAF] =	sst s9;
	s0 =	simm.s32 @!p0 $0x0  }
0x12: {  	s1 =	sld [smem:$0x3F95];
	s0 =	simm.s32 @p0 $0x1  }
0x13: {  	[smem:$0x3FB0] =	sst s0;
	s0 =	simm.s32 @!p1 $0x0  }
0x14: {  	s2 =	sld [smem:$0x3F94];
	s0 =	simm.s32 @p1 $0x1  }
0x15: {  	[smem:$0x3FB1] =	sst s0;
	s0 =	simm.s32 @!p2 $0x0  }
0x16: {  	s3 =	sld [smem:$0x3FDB];
	s0 =	simm.s32 @p2 $0x1  }
0x17: {  	s4 =	simm.s32 $0x1BF5;
	[smem:$0x3FB3] =	sst s0  }
0x18: {  	s0 =	sld [smem:$0x3F96];
	_ =	swait.ge [sflag:s4], $0x0  }
0x19: {  	s7 =	sld [smem:$0x3F97]  }
0x1a: {  	s8 =	sadd.s32 $0xFFFFE003, lr  }
0x1b: {  	s9 =	sadd.s32 $0xFFFFFEF7, lr;
	s5 =	simm.s32 $0xFFFFFFFF;
	p2 =	slt.u32 s8, $0xFFFFF086  }
0x1c: {  	p1 =	slt.u32 s9, $0xF7A;
	s5 =	simm.s32 @!p2 $0x0  }
0x1d: {  	s5 =	simm.s32 @p1 $0x1;
	p0 =	seq.s32 s7, s2  }
0x1e: {  	s7 =	smul.u32 @!p0 $0xF7A, s2;
	p2 =	seq.s32 @!p0 s5, $0x0  }
0x1f: {  	s9 =	smul.u32 $0xF7A, s1;
	s8 =	simm.s32 @!p0 $0x1BF5;
	p2 =	por !p2, p0  }
0x20: {  	[sflag:s8] =	ssyncset.s32 @!p0 $0xFFFFF086;
	s6 =	sadd.s32 @!p0 s3, s7;
	s7 =	simm.s32 @!p0 $0x108  }
0x21: {  	s3 =	sadd.s32 s3, s9;
	s6 =	sadd.s32 @!p0 $0x88, s6;
	s7 =	simm.s32 @p2 $0x1082  }
0x22: {  	[simem:s7], [sflag:s8] =	dma.local @!p0 [hbm:s6], $0xF7A  }
0x23: {  	s9 =	sor.u32 $0xD0000000, s2;
	s6 =	simm.s32 $0x108;
	_ =	swait.ge @!p0 [sflag:s8], $0x0  }
0x24: {  	s3 =	sadd.s32 $0x88, s3;
	s6 =	simm.s32 @!p1 $0x1082;
	[sflag:s4] =	ssyncset.s32 $0xFFFFF086  }
0x25: {  	[simem:s6], [sflag:s4] =	dma.local [hbm:s3], $0xF7A  }
0x26: {  	[smem:$0x3F97] =	sst s1;
	(tag) =	ssettag s2;
	_ =	strace s9  }
0x27: {  	s1 =	sld [smem:$0x3FA7]  }
0x28: {  	s2 =	sld [smem:$0x3FA8]  }
0x29: {  	s4 =	sld [smem:$0x3FAA]  }
0x2a: {  	p0 =	seq.s32 s5, $0x0;
	s5 =	sld [smem:$0x3FAB]  }
0x2b: {  	s6 =	sld [smem:$0x3FAC]  }
0x2c: {  	s7 =	sld [smem:$0x3FAD]  }
0x2d: {  	s3 =	simm.s32 $0x108;
	s8 =	sld [smem:$0x3FAE]  }
0x2e: {  	s3 =	simm.s32 @!p0 $0x1082;
	s9 =	sld [smem:$0x3FAF]  }
0x2f: {  	lr =	sadd.s32 s0, s3;
	s0 =	sld [smem:$0x3FA6]  }
0x30: {  	s3 =	sld [smem:$0x3FA9]  }
0x31: {  	[smem:$0x3FB2] =	sst s10  }
0x32: {  	s10 =	sld [smem:$0x3FB0];
	_ =	sdelay $0x3  }
0x33: {  	p0 =	seq.s32 s10, $0x1;
	s10 =	sld [smem:$0x3FB2];
	_ =	sdelay $0x3  }
0x34: {  	[smem:$0x3FB2] =	sst s10  }
0x35: {  	s10 =	sld [smem:$0x3FB1];
	_ =	sdelay $0x3  }
0x36: {  	p1 =	seq.s32 s10, $0x1;
	s10 =	sld [smem:$0x3FB2];
	_ =	sdelay $0x3  }
0x37: {  	[smem:$0x3FB2] =	sst s10  }
0x38: {  	s10 =	sld [smem:$0x3FB3]  }
0x39: {  	_ = 	snop;
	(pc) =	sbr.ind lr, $3  }
0x3a: {  	_ = 	snop  }
0x3b: {  	_ = 	snop  }
0x3c: {  	p2 =	seq.s32 s10, $0x1;
	s10 =	sld [smem:$0x3FB2]  }
0x3d: {  	_ =	shalt  }
0x3e: {  	_ =	shalt  }
0x3f: {  	_ =	shalt  }
0x40: {  	_ =	shalt  }
0x41: {  	_ =	shalt  }
0x42: {  	_ =	shalt  }
0x43: {  	_ =	shalt  }
0x44: {  	_ =	shalt  }
0x45: {  	_ =	shalt  }
0x46: {  	_ =	shalt  }
0x47: {  	_ =	shalt  }
0x48: {  	_ =	shalt  }
0x49: {  	_ =	shalt  }
0x4a: {  	_ =	shalt  }
0x4b: {  	_ =	shalt  }
0x4c: {  	_ =	shalt  }
0x4d: {  	_ =	shalt  }
0x4e: {  	_ =	shalt  }
0x4f: {  	_ =	shalt  }
0x50: {  	_ =	shalt  }
0x51: {  	_ =	shalt  }
0x52: {  	_ =	shalt  }
0x53: {  	_ =	shalt  }
0x54: {  	_ =	shalt  }
0x55: {  	_ =	shalt  }
0x56: {  	_ =	shalt  }
0x57: {  	_ =	shalt  }
0x58: {  	_ =	shalt  }
0x59: {  	_ =	shalt  }
0x5a: {  	_ =	shalt  }
0x5b: {  	_ =	shalt  }
0x5c: {  	_ =	shalt  }
0x5d: {  	_ =	shalt  }
0x5e: {  	_ =	shalt  }
0x5f: {  	_ =	shalt  }
0x60: {  	_ =	shalt  }
0x61: {  	_ =	shalt  }
0x62: {  	_ =	shalt  }
0x63: {  	_ =	shalt  }
0x64: {  	_ =	shalt  }
0x65: {  	_ =	shalt  }
0x66: {  	_ =	shalt  }
0x67: {  	_ =	shalt  }
0x68: {  	_ =	shalt  }
0x69: {  	_ =	shalt  }
0x6a: {  	_ =	shalt  }
0x6b: {  	_ =	shalt  }
0x6c: {  	_ =	shalt  }
0x6d: {  	_ =	shalt  }
0x6e: {  	_ =	shalt  }
0x6f: {  	_ =	shalt  }
0x70: {  	_ =	shalt  }
0x71: {  	_ =	shalt  }
0x72: {  	_ =	shalt  }
0x73: {  	_ =	shalt  }
0x74: {  	_ =	shalt  }
0x75: {  	_ =	shalt  }
0x76: {  	_ =	shalt  }
0x77: {  	_ =	shalt  }
0x78: {  	_ =	shalt  }
0x79: {  	_ =	shalt  }
0x7a: {  	_ =	shalt  }
0x7b: {  	_ =	shalt  }
0x7c: {  	_ =	shalt  }
0x7d: {  	_ =	shalt  }
0x7e: {  	_ =	shalt  }
0x7f: {  	_ =	shalt  }
0x80: {  	_ =	shalt  }
0x81: {  	_ =	shalt  }
0x82: {  	_ =	shalt  }
0x83: {  	_ =	shalt  }
0x84: {  	_ =	shalt  }
0x85: {  	_ =	shalt  }
0x86: {  	_ =	shalt  }
0x87: {  	_ =	shalt  }
.Lfunc_end0:
.L_simem_size_0:
called_computation.2_lowered:
.L_overlay_start_0:
0x88: {  	s2 =	sld [smem:$0x3FD9]  }
0x89: {  	s3 =	sld [smem:$0x3FFE];
	_ =	sdelay $0x1  }
0x8a: {  	s1 =	srdreg.scid  }
0x8b: {  	s0 =	sand.u32 $0x1, s1  }
0x8c: {  	s16 =	sshll.u32 s0, $0xA;
	s2 =	sadd.s32 s3, s2  }
0x8d: {  	s2 =	sadd.s32 s2, s16  }
0x8e: {  	[smem:$0x3FBE] =	sst s2  }
0x8f: {  	_ = 	snop  }
0x90: {  	(tm) =	ssettm $0x1  }
0x91: {  	s17 =	sld [smem:$0x3FFB];
	_ =	sdelay $0x3  }
0x92: {  	_ =	strace s17  }
0x93: {  	s2 =	sld [smem:$0x3FFC];
	_ =	sdelay $0x3  }
0x94: {  	_ =	strace s2  }
0x95: {  	s2 =	sld [smem:$0x3FFD];
	_ =	sdelay $0x3  }
0x96: {  	_ =	strace s2  }
0x97: {  	_ =	strace $0x8FFFFFFF  }
0x98: {  	s18 =	sld [smem:$0x3FDB];
	_ =	sdelay $0x1  }
0x99: {  	s19 =	simm.s32 $_scs_section_size  }
0x9a: {  	s4 =	simm.s32 $_size__tile_overlayer_lowered;
	s5 =	simm.s32 $_tile_overlayer_lowered  }
0x9b: {  	s22 =	simm.s32 $0x1BFF;
	s21 =	sshll.u32 s5, $0x1;
	s2 =	sadd.s32 s19, s18  }
0x9c: {  	s6 =	simm.s32 $0x0;
	s20 =	sshll.u32 s4, $0x1;
	s4 =	sadd.s32 s21, s2  }
0x9d: {  	[timem:s6], [sflag:s22] =	dma.local [hbm:s4], s20  }
0x9e: {  	_ =	swait.ge [sflag:s22], s20  }
0x9f: {  	s3 =	ssub.s32 $0x0, s20;
	[sflag:s22] =	ssyncset.done $0x0  }
0xa0: {  	[sflag:s22] =	ssyncadd.s32 s3;
	_ =	sdelay $0x1  }
0xa1: {  	s23 =	simm.s32 $0x1B8B  }
0xa2: {  	_ =	swait.ge [sflag:s23], $0x1  }
0xa3: {  	[sflag:s23] =	ssyncset.done $0x0  }
0xa4: {  	s25 =	simm.s32 $0x1B8E;
	s24 =	sld [smem:$0x3FFE];
	[sflag:s23] =	ssyncadd.s32 $0xFFFFFFFF  }
0xa5: {  	s26 =	simm.s32 $execute0_lowered;
	[smem:$0x3FD2] =	sst s25  }
0xa6: {  	s4 =	sshll.u32 s26, $0x1;
	_ =	strace $0x8000004C;
	[dreg:$0x1] =	wrdreg $0xFFFFFFFF  }
0xa7: {  	s28 =	simm.s32 $_size_execute0_lowered;
	s2 =	sadd.s32 s2, s4;
	[dreg:$0x0] =	wrdreg $0x0  }
0xa8: {  	s4 =	sshll.u32 s28, $0x1;
	[dreg:$0x2] =	wrdreg s2  }
0xa9: {  	[dreg:$0x3] =	wrdreg s4  }
0xaa: {  	[dreg:$0x4] =	wrdreg $0xC0  }
0xab: {  	_ =	task [dreg:s6], $0x5FFFF  }
0xac: {  	[dreg:$0x1] =	wrdreg $0xFFFFFFFF  }
0xad: {  	[dreg:$0x0] =	wrdreg $0x60  }
0xae: {  	[dreg:$0x2] =	wrdreg s24  }
0xaf: {  	[dreg:$0x3] =	wrdreg $0xA8000  }
0xb0: {  	[dreg:$0x4] =	wrdreg $0x9  }
0xb1: {  	_ =	task.clear_ibuf [dreg:s6], $0x5FFFF;
	_ =	strace $0x9000004C  }
0xb2: {  	s29 =	simm.s32 $0x9;
	_ =	strace $0x8000004E  }
0xb3: {  	_ =	swait.ge [sflag:s29], $0x1  }
0xb4: {  	[sflag:s29] =	ssyncadd.s32 $0xFFFFFFFF  }
0xb5: {  	_ =	strace $0x9000004E  }
0xb6: {  	_ =	sfence  }
0xb7: {  	s30 =	sld [smem:$0x0];
	_ =	sdelay $0x2  }
0xb8: {  	s31 =	sshll.u32 s1, $0xD;
	s1 =	sshrl.u32 s1, $0x2  }
0xb9: {  	s3 =	sand.u32 $0x4000, s31;
	s1 =	sadd.s32 s1, s30  }
0xba: {  	s0 =	sor.u32 s3, s0;
	s1 =	sshll.u32 s1, $0x11  }
0xbb: {  	s0 =	sor.u32 s1, s0  }
0xbc: {  	s0 =	sadd.s32 $0x8F2B, s0  }
0xbd: {  	[sflag:s0] =	ssyncadd.remote.s32 $0x1  }
0xbe: {  	_ =	sfence.sel $0xFFFF  }
0xbf: {  	[dreg:$0x0] =	wrdreg $0xFFFFFFFF;
	(pc) =	sbr.abs _section_cstart, $3  }
0xc0: {  	[dreg:$0x1] =	wrdreg $0xFFFFFFFF  }
0xc1: {  	_ =	task.clear_ibuf [dreg:s6], $0x2FFFF;
	_ =	strace $0x9FFFFFFF  }
0xc2: {  	(tm) =	ssettm $0x7FFFFFFF  }
0xc3: {  	_ =	shalt  }
tec
execute0_lowered:
.L_overlay_start_1:
0x0: {  	(tag) =	ssettag $0x1  }
0x1: {  	s5 =	rddreg [dreg:$0x0]  }
0x2: {  	s2 =	rddreg [dreg:$0x1]  }
0x3: {  	s0 =	srdreg.scid;
	s1 =	rddreg [dreg:$0x2]  }
0x4: {  	s3 =	simm.s32 $0x0;
	s14 =	simm.s32 $0x3;
	s15 =	simm.s32 $0x1400  }
0x5: {  	s16 =	simm.s32 $0x80;
	s17 =	simm.s32 $0x2800;
	s18 =	simm.s32 $0x6800  }
0x6: {  	s19 =	simm.s32 $0x1;
	s20 =	simm.s32 $0x2;
	s6 =	sand.u32 $0x1, s0  }
0x7: {  	s21 =	simm.s32 $0x1380;
	s0 =	stileid.u32;
	s4 =	smul.u32 $0x28000, s6  }
0x8: {  	s22 =	simm.s32 $0x2700;
	s23 =	simm.s32 $0x2780;
	s7 =	smul.u32 $0x2800, s0  }
0x9: {  	s24 =	simm.s32 $0x0;
	[smem:$0x7FF] =	sst s3;
	s8 =	smul.u32 $0x14000, s0  }
0xa: {  	s9 =	smul.u32 $0x140000, s6;
	_ =	strace $0x8000004D;
	s6 =	ssub.s32 $0x2, s6  }
0xb: {  	s28 =	smul.u32 $0x50000, s0;
	s31 =	sshll.u32 s0, $0x6;
	s29 =	sshrl.u32 s6, $0x1  }
0xc: {  	s7 =	sadd.s32 s7, s4;
	s4 =	sadd.s32 $0x16E00, s5;
	s26 =	sshrl.u32 s8, $0x3  }
0xd: {  	s8 =	sadd.s32 s8, s9;
	s12 =	ssub.s32 s6, s29;
	s30 =	sshrl.u32 s28, $0x2  }
0xe: {  	s6 =	sor.u32 $0x1C03, s31;
	s7 =	sshrl.u32 s7, $0x3;
	s8 =	sshrl.u32 s8, $0x3  }
0xf: {  	s13 =	sadd.s32 s30, s2;
	s12 =	smax.u32 s12, $0x1;
	s10 =	sadd.s32 s7, s5  }
0x10: {  	s7 =	sadd.s32 s26, s5;
	s11 =	sadd.s32 s8, s5;
	s13 =	sshrl.u32 s13, $0x3  }
0x11: {  	s5 =	sadd.s32 $0x3E000, s7;
	s7 =	sadd.s32 $0x2E00, s10;
	s8 =	sadd.s32 $0xCE00, s10  }
0x12: {  	s9 =	sadd.s32 $0x3080, s10;
	s10 =	sadd.s32 $0xD080, s10;
	s11 =	sadd.s32 $0x66000, s11  }
.LBB2_1:
0x13: {  	[spmem:s13], [sflag:s6] =	dma.local [hbm:s5], $0x2800  }
0x14: {  	_ =	swait.ge [sflag:s14], $0x2800  }
0x15: {  	[sflag:s14] =	ssyncset.done $0x0  }
0x16: {  	[sflag:s14] =	ssyncadd.s32 $0xFFFFD800  }
0x17: {  	[bflag:$0x0] =	sbarrier.arrive $0xFFFF  }
0x18: {  	[tilespmem:s3], [sflag:$0x3] =	stream.linear.gather [hbm4b:s7+s3], $0x1400, $0x38;
	[tilespmem:$0x1E800] =	vst v63  }
0x19: {  	_ =	swait.ge [sflag:s14], $0x1400  }
0x1a: {  	[sflag:s14] =	ssyncset.done $0x0  }
0x1b: {  	[sflag:s14] =	ssyncadd.s32 $0xFFFFEC00  }
0x1c: {  	[tilespmem:s15], [sflag:$0x3] =	stream.linear.gather [hbm4b:s8+s3], $0x1400, $0x38;
	[tilespmem:$0x1E800] =	vst v63  }
0x1d: {  	_ =	swait.ge [sflag:s14], $0x1400  }
0x1e: {  	[sflag:s14] =	ssyncset.done $0x0  }
0x1f: {  	[sflag:s14] =	ssyncadd.s32 $0xFFFFEC00  }
0x20: {  	[tilespmem:s17], [sflag:$0x1] =	stream.indirect.gather [hbm4b:s4+s16], $0x80, s3, s16, $0xb8;
	[tilespmem:$0x1E800] =	vst v63  }
0x21: {  	s25 =	simm.s32 $0x80  }
0x22: {  	[tilespmem:s18], [sflag:$0x2] =	stream.indirect.gather [hbm4b:s4+s16], $0x80, s25, s16, $0xb8;
	[tilespmem:$0x1E800] =	vst v63  }
0x23: {  	_ =	swait.ge [sflag:s19], $0x4000  }
0x24: {  	[sflag:s19] =	ssyncset.done $0x0  }
0x25: {  	s29 =	simm.s32 $0x1400;
	[sflag:s19] =	ssyncadd.s32 $0xFFFFC000  }
0x26: {  	[spmem:s2] =	stream.indirect.scatter.add.f32 [tilespmem:s17], [sflag:$0x3], $0x80, s29, s16, $0xb8;
	[tilespmem:$0x1E800] =	vst v63  }
0x27: {  	_ =	swait.ge [sflag:s14], $0x4000  }
0x28: {  	[sflag:s14] =	ssyncset.done $0x0  }
0x29: {  	s30 =	simm.s32 $0x100;
	[sflag:s14] =	ssyncadd.s32 $0xFFFFC000  }
0x2a: {  	[tilespmem:s17], [sflag:$0x1] =	stream.indirect.gather [hbm4b:s4+s16], $0x80, s30, s16, $0xb8;
	[tilespmem:$0x1E800] =	vst v63  }
0x2b: {  	_ =	swait.ge [sflag:s20], $0x4000  }
0x2c: {  	[sflag:s20] =	ssyncset.done $0x0  }
0x2d: {  	s31 =	simm.s32 $0x1480;
	[sflag:s20] =	ssyncadd.s32 $0xFFFFC000  }
0x2e: {  	[spmem:s2] =	stream.indirect.scatter.add.f32 [tilespmem:s18], [sflag:$0x3], $0x80, s31, s16, $0xb8;
	[tilespmem:$0x1E800] =	vst v63  }
0x2f: {  	_ =	swait.ge [sflag:s14], $0x4000  }
0x30: {  	s26 =	simm.s32 $0x800;
	s25 =	simm.s32 $0x100;
	[sflag:s14] =	ssyncset.done $0x0  }
.LBB2_2:
0x31: {  	s28 =	sadd.s32 $0x80, s25  }
0x32: {  	[sflag:s14] =	ssyncadd.s32 $0xFFFFC000;
	s29 =	smov.u32 s26;
	s30 =	sadd.s32 $0x400, s26  }
0x33: {  	[tilespmem:s18], [sflag:$0x2] =	stream.indirect.gather [hbm4b:s4+s16], $0x80, s28, s16, $0xb8;
	[tilespmem:$0x1E800] =	vst v63  }
0x34: {  	p0 =	sne.s32 s26, $0x4800;
	_ =	swait.ge [sflag:s19], $0x4000  }
0x35: {  	[sflag:s19] =	ssyncset.done $0x0  }
0x36: {  	s26 =	sadd.s32 $0x1400, s25;
	[sflag:s19] =	ssyncadd.s32 $0xFFFFC000  }
0x37: {  	[spmem:s2] =	stream.indirect.scatter.add.f32 [tilespmem:s17], [sflag:$0x3], $0x80, s26, s16, $0xb8;
	[tilespmem:$0x1E800] =	vst v63  }
0x38: {  	_ =	swait.ge [sflag:s14], $0x4000  }
0x39: {  	[sflag:s14] =	ssyncset.done $0x0  }
0x3a: {  	s26 =	sadd.s32 $0x100, s25;
	[sflag:s14] =	ssyncadd.s32 $0xFFFFC000  }
0x3b: {  	[tilespmem:s17], [sflag:$0x1] =	stream.indirect.gather [hbm4b:s4+s16], $0x80, s26, s16, $0xb8;
	[tilespmem:$0x1E800] =	vst v63  }
0x3c: {  	_ =	swait.ge [sflag:s20], $0x4000  }
.Ltmp0:
0x3d: {  	[sflag:s20] =	ssyncset.done $0x0;
	(pc) =	sbr.rel @p0 .LBB2_2-.Ltmp0, $4  }
0x3e: {  	s25 =	sadd.s32 $0x1480, s25;
	[sflag:s20] =	ssyncadd.s32 $0xFFFFC000  }
0x3f: {  	[spmem:s2] =	stream.indirect.scatter.add.f32 [tilespmem:s18], [sflag:$0x3], $0x80, s25, s16, $0xb8;
	[tilespmem:$0x1E800] =	vst v63  }
0x40: {  	_ =	swait.ge [sflag:s14], $0x4000  }
0x41: {  	s26 =	smov.u32 s30;
	s25 =	sshra.s32 s29, $0x2;
	[sflag:s14] =	ssyncset.done $0x0  }
0x42: {  	s26 =	sadd.s32 $0x80, s25;
	[sflag:s14] =	ssyncadd.s32 $0xFFFFC000  }
0x43: {  	[tilespmem:s18], [sflag:$0x2] =	stream.indirect.gather [hbm4b:s4+s16], $0x80, s26, s16, $0xb8;
	[tilespmem:$0x1E800] =	vst v63  }
0x44: {  	_ =	swait.ge [sflag:s19], $0x4000  }
0x45: {  	[sflag:s19] =	ssyncset.done $0x0  }
0x46: {  	s29 =	sadd.s32 $0x1400, s25;
	[sflag:s19] =	ssyncadd.s32 $0xFFFFC000  }
0x47: {  	[spmem:s2] =	stream.indirect.scatter.add.f32 [tilespmem:s17], [sflag:$0x3], $0x80, s29, s16, $0xb8;
	[tilespmem:$0x1E800] =	vst v63  }
0x48: {  	_ =	swait.ge [sflag:s14], $0x4000  }
0x49: {  	[sflag:s14] =	ssyncset.done $0x0  }
0x4a: {  	s30 =	sadd.s32 $0x100, s25;
	[sflag:s14] =	ssyncadd.s32 $0xFFFFC000  }
0x4b: {  	[tilespmem:s17], [sflag:$0x1] =	stream.indirect.gather [hbm4b:s4+s16], $0x80, s30, s16, $0xb8;
	[tilespmem:$0x1E800] =	vst v63  }
0x4c: {  	_ =	swait.ge [sflag:s20], $0x4000  }
0x4d: {  	[sflag:s20] =	ssyncset.done $0x0  }
0x4e: {  	s31 =	sadd.s32 $0x1480, s25;
	[sflag:s20] =	ssyncadd.s32 $0xFFFFC000  }
0x4f: {  	[spmem:s2] =	stream.indirect.scatter.add.f32 [tilespmem:s18], [sflag:$0x3], $0x80, s31, s16, $0xb8;
	[tilespmem:$0x1E800] =	vst v63  }
0x50: {  	_ =	swait.ge [sflag:s14], $0x4000  }
0x51: {  	[sflag:s14] =	ssyncset.done $0x0  }
0x52: {  	[sflag:s14] =	ssyncadd.s32 $0xFFFFC000  }
0x53: {  	[tilespmem:s18], [sflag:$0x2] =	stream.indirect.gather [hbm4b:s4+s16], $0x80, s21, s16, $0xb8;
	[tilespmem:$0x1E800] =	vst v63  }
0x54: {  	_ =	swait.ge [sflag:s19], $0x4000  }
0x55: {  	[sflag:s19] =	ssyncset.done $0x0  }
0x56: {  	[sflag:s19] =	ssyncadd.s32 $0xFFFFC000  }
0x57: {  	[spmem:s2] =	stream.indirect.scatter.add.f32 [tilespmem:s17], [sflag:$0x3], $0x80, s22, s16, $0xb8;
	[tilespmem:$0x1E800] =	vst v63  }
0x58: {  	_ =	swait.ge [sflag:s14], $0x4000  }
0x59: {  	[sflag:s14] =	ssyncset.done $0x0  }
0x5a: {  	[sflag:s14] =	ssyncadd.s32 $0xFFFFC000  }
0x5b: {  	_ =	swait.ge [sflag:s20], $0x4000  }
0x5c: {  	[sflag:s20] =	ssyncset.done $0x0  }
0x5d: {  	[sflag:s20] =	ssyncadd.s32 $0xFFFFC000  }
0x5e: {  	[spmem:s2] =	stream.indirect.scatter.add.f32 [tilespmem:s18], [sflag:$0x3], $0x80, s23, s16, $0xb8;
	[tilespmem:$0x1E800] =	vst v63  }
0x5f: {  	_ =	swait.ge [sflag:s14], $0x4000  }
0x60: {  	[sflag:s14] =	ssyncset.done $0x0  }
0x61: {  	s26 =	simm.s32 $0x0;
	[sflag:s14] =	ssyncadd.s32 $0xFFFFC000  }
0x62: {  	[tilespmem:s26], [sflag:$0x3] =	stream.linear.gather [hbm4b:s9+s26], $0x1400, $0x38;
	[tilespmem:$0x1E800] =	vst v63  }
0x63: {  	_ =	swait.ge [sflag:s14], $0x1400  }
0x64: {  	[sflag:s14] =	ssyncset.done $0x0  }
0x65: {  	[sflag:s14] =	ssyncadd.s32 $0xFFFFEC00  }
0x66: {  	[tilespmem:s15], [sflag:$0x3] =	stream.linear.gather [hbm4b:s10+s26], $0x1400, $0x38;
	[tilespmem:$0x1E800] =	vst v63  }
0x67: {  	_ =	swait.ge [sflag:s14], $0x1400  }
0x68: {  	[sflag:s14] =	ssyncset.done $0x0  }
0x69: {  	[sflag:s14] =	ssyncadd.s32 $0xFFFFEC00  }
0x6a: {  	[tilespmem:s17], [sflag:$0x1] =	stream.indirect.gather [hbm4b:s4+s16], $0x80, s26, s16, $0xb8;
	[tilespmem:$0x1E800] =	vst v63  }
0x6b: {  	s28 =	simm.s32 $0x80  }
0x6c: {  	[tilespmem:s18], [sflag:$0x2] =	stream.indirect.gather [hbm4b:s4+s16], $0x80, s28, s16, $0xb8;
	[tilespmem:$0x1E800] =	vst v63  }
0x6d: {  	_ =	swait.ge [sflag:s19], $0x4000  }
0x6e: {  	[sflag:s19] =	ssyncset.done $0x0  }
0x6f: {  	s29 =	simm.s32 $0x1400;
	[sflag:s19] =	ssyncadd.s32 $0xFFFFC000  }
0x70: {  	[spmem:s2] =	stream.indirect.scatter.add.f32 [tilespmem:s17], [sflag:$0x3], $0x80, s29, s16, $0xb8;
	[tilespmem:$0x1E800] =	vst v63  }
0x71: {  	_ =	swait.ge [sflag:s14], $0x4000  }
0x72: {  	[sflag:s14] =	ssyncset.done $0x0  }
0x73: {  	s30 =	simm.s32 $0x100;
	[sflag:s14] =	ssyncadd.s32 $0xFFFFC000  }
0x74: {  	[tilespmem:s17], [sflag:$0x1] =	stream.indirect.gather [hbm4b:s4+s16], $0x80, s30, s16, $0xb8;
	[tilespmem:$0x1E800] =	vst v63  }
0x75: {  	_ =	swait.ge [sflag:s20], $0x4000  }
0x76: {  	[sflag:s20] =	ssyncset.done $0x0  }
0x77: {  	s31 =	simm.s32 $0x1480;
	[sflag:s20] =	ssyncadd.s32 $0xFFFFC000  }
0x78: {  	[spmem:s2] =	stream.indirect.scatter.add.f32 [tilespmem:s18], [sflag:$0x3], $0x80, s31, s16, $0xb8;
	[tilespmem:$0x1E800] =	vst v63  }
0x79: {  	_ =	swait.ge [sflag:s14], $0x4000  }
0x7a: {  	s25 =	simm.s32 $0x100;
	s26 =	simm.s32 $0x800;
	[sflag:s14] =	ssyncset.done $0x0  }
.LBB2_4:
0x7b: {  	s28 =	sadd.s32 $0x80, s25  }
0x7c: {  	[sflag:s14] =	ssyncadd.s32 $0xFFFFC000;
	s29 =	smov.u32 s26;
	s30 =	sadd.s32 $0x400, s26  }
0x7d: {  	[tilespmem:s18], [sflag:$0x2] =	stream.indirect.gather [hbm4b:s4+s16], $0x80, s28, s16, $0xb8;
	[tilespmem:$0x1E800] =	vst v63  }
0x7e: {  	p0 =	sne.s32 s26, $0x4800;
	_ =	swait.ge [sflag:s19], $0x4000  }
0x7f: {  	[sflag:s19] =	ssyncset.done $0x0  }
0x80: {  	s26 =	sadd.s32 $0x1400, s25;
	[sflag:s19] =	ssyncadd.s32 $0xFFFFC000  }
0x81: {  	[spmem:s2] =	stream.indirect.scatter.add.f32 [tilespmem:s17], [sflag:$0x3], $0x80, s26, s16, $0xb8;
	[tilespmem:$0x1E800] =	vst v63  }
0x82: {  	_ =	swait.ge [sflag:s14], $0x4000  }
0x83: {  	[sflag:s14] =	ssyncset.done $0x0  }
0x84: {  	s26 =	sadd.s32 $0x100, s25;
	[sflag:s14] =	ssyncadd.s32 $0xFFFFC000  }
0x85: {  	[tilespmem:s17], [sflag:$0x1] =	stream.indirect.gather [hbm4b:s4+s16], $0x80, s26, s16, $0xb8;
	[tilespmem:$0x1E800] =	vst v63  }
0x86: {  	_ =	swait.ge [sflag:s20], $0x4000  }
.Ltmp1:
0x87: {  	[sflag:s20] =	ssyncset.done $0x0;
	(pc) =	sbr.rel @p0 .LBB2_4-.Ltmp1, $4  }
0x88: {  	s25 =	sadd.s32 $0x1480, s25;
	[sflag:s20] =	ssyncadd.s32 $0xFFFFC000  }
0x89: {  	[spmem:s2] =	stream.indirect.scatter.add.f32 [tilespmem:s18], [sflag:$0x3], $0x80, s25, s16, $0xb8;
	[tilespmem:$0x1E800] =	vst v63  }
0x8a: {  	_ =	swait.ge [sflag:s14], $0x4000  }
0x8b: {  	s26 =	smov.u32 s30;
	s25 =	sshra.s32 s29, $0x2;
	[sflag:s14] =	ssyncset.done $0x0  }
0x8c: {  	s26 =	sadd.s32 $0x80, s25;
	[sflag:s14] =	ssyncadd.s32 $0xFFFFC000  }
0x8d: {  	[tilespmem:s18], [sflag:$0x2] =	stream.indirect.gather [hbm4b:s4+s16], $0x80, s26, s16, $0xb8;
	[tilespmem:$0x1E800] =	vst v63  }
0x8e: {  	_ =	swait.ge [sflag:s19], $0x4000  }
0x8f: {  	[sflag:s19] =	ssyncset.done $0x0  }
0x90: {  	s29 =	sadd.s32 $0x1400, s25;
	[sflag:s19] =	ssyncadd.s32 $0xFFFFC000  }
0x91: {  	[spmem:s2] =	stream.indirect.scatter.add.f32 [tilespmem:s17], [sflag:$0x3], $0x80, s29, s16, $0xb8;
	[tilespmem:$0x1E800] =	vst v63  }
0x92: {  	_ =	swait.ge [sflag:s14], $0x4000  }
0x93: {  	[sflag:s14] =	ssyncset.done $0x0  }
0x94: {  	s30 =	sadd.s32 $0x100, s25;
	[sflag:s14] =	ssyncadd.s32 $0xFFFFC000  }
0x95: {  	[tilespmem:s17], [sflag:$0x1] =	stream.indirect.gather [hbm4b:s4+s16], $0x80, s30, s16, $0xb8;
	[tilespmem:$0x1E800] =	vst v63  }
0x96: {  	_ =	swait.ge [sflag:s20], $0x4000  }
0x97: {  	[sflag:s20] =	ssyncset.done $0x0  }
0x98: {  	s31 =	sadd.s32 $0x1480, s25;
	[sflag:s20] =	ssyncadd.s32 $0xFFFFC000  }
0x99: {  	[spmem:s2] =	stream.indirect.scatter.add.f32 [tilespmem:s18], [sflag:$0x3], $0x80, s31, s16, $0xb8;
	[tilespmem:$0x1E800] =	vst v63  }
0x9a: {  	_ =	swait.ge [sflag:s14], $0x4000  }
0x9b: {  	[sflag:s14] =	ssyncset.done $0x0  }
0x9c: {  	[sflag:s14] =	ssyncadd.s32 $0xFFFFC000  }
0x9d: {  	[tilespmem:s18], [sflag:$0x2] =	stream.indirect.gather [hbm4b:s4+s16], $0x80, s21, s16, $0xb8;
	[tilespmem:$0x1E800] =	vst v63  }
0x9e: {  	_ =	swait.ge [sflag:s19], $0x4000  }
0x9f: {  	[sflag:s19] =	ssyncset.done $0x0  }
0xa0: {  	[sflag:s19] =	ssyncadd.s32 $0xFFFFC000  }
0xa1: {  	[spmem:s2] =	stream.indirect.scatter.add.f32 [tilespmem:s17], [sflag:$0x3], $0x80, s22, s16, $0xb8;
	[tilespmem:$0x1E800] =	vst v63  }
0xa2: {  	_ =	swait.ge [sflag:s14], $0x4000  }
0xa3: {  	[sflag:s14] =	ssyncset.done $0x0  }
0xa4: {  	[sflag:s14] =	ssyncadd.s32 $0xFFFFC000  }
0xa5: {  	_ =	swait.ge [sflag:s20], $0x4000  }
0xa6: {  	[sflag:s20] =	ssyncset.done $0x0  }
0xa7: {  	[sflag:s20] =	ssyncadd.s32 $0xFFFFC000  }
0xa8: {  	[spmem:s2] =	stream.indirect.scatter.add.f32 [tilespmem:s18], [sflag:$0x3], $0x80, s23, s16, $0xb8;
	[tilespmem:$0x1E800] =	vst v63  }
0xa9: {  	_ =	swait.ge [sflag:s14], $0x4000  }
0xaa: {  	s24 =	sadd.s32 $0x1, s24;
	[sflag:s14] =	ssyncset.done $0x0  }
0xab: {  	p0 =	sne.s32 s24, s12;
	[sflag:s14] =	ssyncadd.s32 $0xFFFFC000  }
.Ltmp2:
0xac: {  	[bflag:$0x0] =	sbarrier.arrive $0xFFFF;
	(pc) =	sbr.rel @p0 .LBB2_1-.Ltmp2, $4  }
0xad: {  	[hbm:s11], [sflag:s6] =	dma.local [spmem:s13], $0x2800  }
0xae: {  	_ =	swait.ge [sflag:s14], $0x2800  }
0xaf: {  	[sflag:s14] =	ssyncset.done $0x0  }
0xb0: {  	[sflag:s14] =	ssyncadd.s32 $0xFFFFD800  }
0xb1: {  	_ =	sfence.sel $0x180000  }
0xb2: {  	[bflag:$0x0] =	sbarrier.arrive $0xFFFF  }
0xb3: {  	p0 =	sne.s32 s0, $0x0;
	_ =	strace $0x9000004D  }
0xb4: {  	s0 =	sadd.s32 @!p0 $0x100000, s1;
	[bflag:$0x2] =	sbarrier.arrive $0xFFFF  }
0xb5: {  	[sflag:s0] =	ssyncadd.tile.s32 @!p0 $0x1;
	_ =	shalt  }
.Lfunc_end2:
_tile_overlayer_lowered:
.L_overlay_start_2:
0xb6: {  	(tag) =	ssettag $0x2  }
0xb7: {  	s0 =	rddreg [dreg:$0x0];
	s2 =	stileid.u32  }
0xb8: {  	s1 =	rddreg [dreg:$0x1];
	p0 =	sne.s32 s2, $0x0  }
0xb9: {  	s3 =	rddreg [dreg:$0x2];
	[bflag:$0x3] =	sbarrier.arrive $0xFFFF;
	s2 =	simm.s32 @!p0 $0x1C03  }
0xba: {  	[timem:s3], [sflag:s2] =	dma.local @!p0 [hbm:s0], s1  }
0xbb: {  	s0 =	simm.s32 @!p0 $0x3  }
0xbc: {  	_ =	swait.ge @!p0 [sflag:s0], s1  }
0xbd: {  	s1 =	ssub.s32 @!p0 $0x0, s1;
	[sflag:s0] =	ssyncset.done @!p0 $0x0  }
0xbe: {  	[sflag:s0] =	ssyncadd.s32 @!p0 s1  }
0xbf: {  	[bflag:$0x3] =	sbarrier.arrive $0xFFFF  }
0xc0: {  	_ =	shalt  }

// kernel: kernel.9.cloned.1.call-start
scs
__scs_entry_jumppad:
0x0: {  	(pc) =	sbr.rel $0x88, $3  }
0x1: {  	(tag) =	ssettag $0x0;
	lr =	simm.s32 $0x1  }
0x2: {  	[smem:$0x3F97] =	sst lr;
	_ =	strace $0xD0000000  }
0x3: {  	_ = 	snop  }
0x4: {  	_ = 	snop  }
0x5: {  	_ = 	snop  }
0x6: {  	_ = 	snop  }
0x7: {  	_ = 	snop  }
__scs_overlays_trampoline_lowered:
0x8: {  	[smem:$0x3FA6] =	sst s0  }
0x9: {  	[smem:$0x3FA7] =	sst s1  }
0xa: {  	[smem:$0x3FA8] =	sst s2  }
0xb: {  	[smem:$0x3FA9] =	sst s3  }
0xc: {  	[smem:$0x3FAA] =	sst s4  }
0xd: {  	[smem:$0x3FAB] =	sst s5  }
0xe: {  	[smem:$0x3FAC] =	sst s6  }
0xf: {  	[smem:$0x3FAD] =	sst s7  }
0x10: {  	[smem:$0x3FAE] =	sst s8  }
0x11: {  	[smem:$0x3FAF] =	sst s9;
	s0 =	simm.s32 @!p0 $0x0  }
0x12: {  	s1 =	sld [smem:$0x3F95];
	s0 =	simm.s32 @p0 $0x1  }
0x13: {  	[smem:$0x3FB0] =	sst s0;
	s0 =	simm.s32 @!p1 $0x0  }
0x14: {  	s2 =	sld [smem:$0x3F94];
	s0 =	simm.s32 @p1 $0x1  }
0x15: {  	[smem:$0x3FB1] =	sst s0;
	s0 =	simm.s32 @!p2 $0x0  }
0x16: {  	s3 =	sld [smem:$0x3FDB];
	s0 =	simm.s32 @p2 $0x1  }
0x17: {  	s4 =	simm.s32 $0x1BF5;
	[smem:$0x3FB3] =	sst s0  }
0x18: {  	s0 =	sld [smem:$0x3F96];
	_ =	swait.ge [sflag:s4], $0x0  }
0x19: {  	s7 =	sld [smem:$0x3F97]  }
0x1a: {  	s8 =	sadd.s32 $0xFFFFE003, lr  }
0x1b: {  	s9 =	sadd.s32 $0xFFFFFEF7, lr;
	s5 =	simm.s32 $0xFFFFFFFF;
	p2 =	slt.u32 s8, $0xFFFFF086  }
0x1c: {  	p1 =	slt.u32 s9, $0xF7A;
	s5 =	simm.s32 @!p2 $0x0  }
0x1d: {  	s5 =	simm.s32 @p1 $0x1;
	p0 =	seq.s32 s7, s2  }
0x1e: {  	s7 =	smul.u32 @!p0 $0xF7A, s2;
	p2 =	seq.s32 @!p0 s5, $0x0  }
0x1f: {  	s9 =	smul.u32 $0xF7A, s1;
	s8 =	simm.s32 @!p0 $0x1BF5;
	p2 =	por !p2, p0  }
0x20: {  	[sflag:s8] =	ssyncset.s32 @!p0 $0xFFFFF086;
	s6 =	sadd.s32 @!p0 s3, s7;
	s7 =	simm.s32 @!p0 $0x108  }
0x21: {  	s3 =	sadd.s32 s3, s9;
	s6 =	sadd.s32 @!p0 $0x88, s6;
	s7 =	simm.s32 @p2 $0x1082  }
0x22: {  	[simem:s7], [sflag:s8] =	dma.local @!p0 [hbm:s6], $0xF7A  }
0x23: {  	s9 =	sor.u32 $0xD0000000, s2;
	s6 =	simm.s32 $0x108;
	_ =	swait.ge @!p0 [sflag:s8], $0x0  }
0x24: {  	s3 =	sadd.s32 $0x88, s3;
	s6 =	simm.s32 @!p1 $0x1082;
	[sflag:s4] =	ssyncset.s32 $0xFFFFF086  }
0x25: {  	[simem:s6], [sflag:s4] =	dma.local [hbm:s3], $0xF7A  }
0x26: {  	[smem:$0x3F97] =	sst s1;
	(tag) =	ssettag s2;
	_ =	strace s9  }
0x27: {  	s1 =	sld [smem:$0x3FA7]  }
0x28: {  	s2 =	sld [smem:$0x3FA8]  }
0x29: {  	s4 =	sld [smem:$0x3FAA]  }
0x2a: {  	p0 =	seq.s32 s5, $0x0;
	s5 =	sld [smem:$0x3FAB]  }
0x2b: {  	s6 =	sld [smem:$0x3FAC]  }
0x2c: {  	s7 =	sld [smem:$0x3FAD]  }
0x2d: {  	s3 =	simm.s32 $0x108;
	s8 =	sld [smem:$0x3FAE]  }
0x2e: {  	s3 =	simm.s32 @!p0 $0x1082;
	s9 =	sld [smem:$0x3FAF]  }
0x2f: {  	lr =	sadd.s32 s0, s3;
	s0 =	sld [smem:$0x3FA6]  }
0x30: {  	s3 =	sld [smem:$0x3FA9]  }
0x31: {  	[smem:$0x3FB2] =	sst s10  }
0x32: {  	s10 =	sld [smem:$0x3FB0];
	_ =	sdelay $0x3  }
0x33: {  	p0 =	seq.s32 s10, $0x1;
	s10 =	sld [smem:$0x3FB2];
	_ =	sdelay $0x3  }
0x34: {  	[smem:$0x3FB2] =	sst s10  }
0x35: {  	s10 =	sld [smem:$0x3FB1];
	_ =	sdelay $0x3  }
0x36: {  	p1 =	seq.s32 s10, $0x1;
	s10 =	sld [smem:$0x3FB2];
	_ =	sdelay $0x3  }
0x37: {  	[smem:$0x3FB2] =	sst s10  }
0x38: {  	s10 =	sld [smem:$0x3FB3]  }
0x39: {  	_ = 	snop;
	(pc) =	sbr.ind lr, $3  }
0x3a: {  	_ = 	snop  }
0x3b: {  	_ = 	snop  }
0x3c: {  	p2 =	seq.s32 s10, $0x1;
	s10 =	sld [smem:$0x3FB2]  }
0x3d: {  	_ =	shalt  }
0x3e: {  	_ =	shalt  }
0x3f: {  	_ =	shalt  }
0x40: {  	_ =	shalt  }
0x41: {  	_ =	shalt  }
0x42: {  	_ =	shalt  }
0x43: {  	_ =	shalt  }
0x44: {  	_ =	shalt  }
0x45: {  	_ =	shalt  }
0x46: {  	_ =	shalt  }
0x47: {  	_ =	shalt  }
0x48: {  	_ =	shalt  }
0x49: {  	_ =	shalt  }
0x4a: {  	_ =	shalt  }
0x4b: {  	_ =	shalt  }
0x4c: {  	_ =	shalt  }
0x4d: {  	_ =	shalt  }
0x4e: {  	_ =	shalt  }
0x4f: {  	_ =	shalt  }
0x50: {  	_ =	shalt  }
0x51: {  	_ =	shalt  }
0x52: {  	_ =	shalt  }
0x53: {  	_ =	shalt  }
0x54: {  	_ =	shalt  }
0x55: {  	_ =	shalt  }
0x56: {  	_ =	shalt  }
0x57: {  	_ =	shalt  }
0x58: {  	_ =	shalt  }
0x59: {  	_ =	shalt  }
0x5a: {  	_ =	shalt  }
0x5b: {  	_ =	shalt  }
0x5c: {  	_ =	shalt  }
0x5d: {  	_ =	shalt  }
0x5e: {  	_ =	shalt  }
0x5f: {  	_ =	shalt  }
0x60: {  	_ =	shalt  }
0x61: {  	_ =	shalt  }
0x62: {  	_ =	shalt  }
0x63: {  	_ =	shalt  }
0x64: {  	_ =	shalt  }
0x65: {  	_ =	shalt  }
0x66: {  	_ =	shalt  }
0x67: {  	_ =	shalt  }
0x68: {  	_ =	shalt  }
0x69: {  	_ =	shalt  }
0x6a: {  	_ =	shalt  }
0x6b: {  	_ =	shalt  }
0x6c: {  	_ =	shalt  }
0x6d: {  	_ =	shalt  }
0x6e: {  	_ =	shalt  }
0x6f: {  	_ =	shalt  }
0x70: {  	_ =	shalt  }
0x71: {  	_ =	shalt  }
0x72: {  	_ =	shalt  }
0x73: {  	_ =	shalt  }
0x74: {  	_ =	shalt  }
0x75: {  	_ =	shalt  }
0x76: {  	_ =	shalt  }
0x77: {  	_ =	shalt  }
0x78: {  	_ =	shalt  }
0x79: {  	_ =	shalt  }
0x7a: {  	_ =	shalt  }
0x7b: {  	_ =	shalt  }
0x7c: {  	_ =	shalt  }
0x7d: {  	_ =	shalt  }
0x7e: {  	_ =	shalt  }
0x7f: {  	_ =	shalt  }
0x80: {  	_ =	shalt  }
0x81: {  	_ =	shalt  }
0x82: {  	_ =	shalt  }
0x83: {  	_ =	shalt  }
0x84: {  	_ =	shalt  }
0x85: {  	_ =	shalt  }
0x86: {  	_ =	shalt  }
0x87: {  	_ =	shalt  }
.Lfunc_end0:
.L_simem_size_0:
called_computation_lowered:
.L_overlay_start_0:
0x88: {  	s2 =	sld [smem:$0x3FD9]  }
0x89: {  	s3 =	sld [smem:$0x3FFE];
	_ =	sdelay $0x1  }
0x8a: {  	s1 =	srdreg.scid  }
0x8b: {  	s0 =	sand.u32 $0x1, s1  }
0x8c: {  	s17 =	sshll.u32 s0, $0xA;
	s2 =	sadd.s32 s3, s2  }
0x8d: {  	s2 =	sadd.s32 s2, s17  }
0x8e: {  	[smem:$0x3FBE] =	sst s2  }
0x8f: {  	_ = 	snop  }
0x90: {  	s2 =	sld [smem:$0x3FD0];
	(tm) =	ssettm $0x1  }
0x91: {  	s18 =	sld [smem:$0x3FFB];
	_ =	sdelay $0x3  }
0x92: {  	_ =	strace s18  }
0x93: {  	s3 =	sld [smem:$0x3FFC];
	_ =	sdelay $0x3  }
0x94: {  	_ =	strace s3  }
0x95: {  	s3 =	sld [smem:$0x3FFD];
	_ =	sdelay $0x3  }
0x96: {  	_ =	strace s3  }
0x97: {  	_ =	strace $0x8FFFFFFF  }
0x98: {  	s19 =	sld [smem:$0x3FDB];
	_ =	sdelay $0x1  }
0x99: {  	s4 =	simm.s32 $_scs_section_size  }
0x9a: {  	s5 =	simm.s32 $_size__tile_overlayer_lowered;
	s6 =	simm.s32 $_tile_overlayer_lowered  }
0x9b: {  	s22 =	simm.s32 $0x1BFF;
	s21 =	sshll.u32 s6, $0x1;
	s3 =	sadd.s32 s4, s19  }
0x9c: {  	s7 =	simm.s32 $0x0;
	s20 =	sshll.u32 s5, $0x1;
	s5 =	sadd.s32 s21, s3  }
0x9d: {  	[timem:s7], [sflag:s22] =	dma.local [hbm:s5], s20  }
0x9e: {  	_ =	swait.ge [sflag:s22], s20  }
0x9f: {  	s4 =	ssub.s32 $0x0, s20;
	[sflag:s22] =	ssyncset.done $0x0  }
0xa0: {  	[sflag:s22] =	ssyncadd.s32 s4;
	_ =	sdelay $0x1  }
0xa1: {  	s23 =	simm.s32 $0x1B8B  }
0xa2: {  	_ =	swait.ge [sflag:s23], $0x1  }
0xa3: {  	[sflag:s23] =	ssyncset.done $0x0  }
0xa4: {  	s25 =	simm.s32 $0x1B8E;
	s24 =	sld [smem:$0x3FFE];
	[sflag:s23] =	ssyncadd.s32 $0xFFFFFFFF  }
0xa5: {  	s26 =	simm.s32 $execute0_lowered;
	[smem:$0x3FD2] =	sst s25  }
0xa6: {  	s5 =	sshll.u32 s26, $0x1;
	_ =	strace $0x80000046;
	[dreg:$0x1] =	wrdreg $0xFFFFFFFF  }
0xa7: {  	s28 =	simm.s32 $_size_execute0_lowered;
	s3 =	sadd.s32 s3, s5;
	[dreg:$0x0] =	wrdreg $0x0  }
0xa8: {  	s5 =	sshll.u32 s28, $0x1;
	[dreg:$0x2] =	wrdreg s3  }
0xa9: {  	[dreg:$0x3] =	wrdreg s5  }
0xaa: {  	[dreg:$0x4] =	wrdreg $0xC0  }
0xab: {  	_ =	task [dreg:s7], $0x5FFFF  }
0xac: {  	[dreg:$0x1] =	wrdreg $0xFFFFFFFF  }
0xad: {  	[dreg:$0x0] =	wrdreg $0x60  }
0xae: {  	[dreg:$0x2] =	wrdreg s24  }
0xaf: {  	[dreg:$0x3] =	wrdreg s2  }
0xb0: {  	[dreg:$0x4] =	wrdreg $0x28800  }
0xb1: {  	[dreg:$0x5] =	wrdreg $0x9  }
0xb2: {  	_ =	task.clear_ibuf [dreg:s7], $0x6FFFF;
	_ =	strace $0x90000046  }
0xb3: {  	s29 =	simm.s32 $0x9;
	_ =	strace $0x80000048  }
0xb4: {  	_ =	swait.ge [sflag:s29], $0x1  }
0xb5: {  	[sflag:s29] =	ssyncadd.s32 $0xFFFFFFFF  }
0xb6: {  	_ =	strace $0x90000048  }
0xb7: {  	_ =	sfence  }
0xb8: {  	s30 =	sld [smem:$0x0];
	_ =	sdelay $0x2  }
0xb9: {  	s31 =	sshll.u32 s1, $0xD;
	s1 =	sshrl.u32 s1, $0x2  }
0xba: {  	s3 =	sand.u32 $0x4000, s31;
	s1 =	sadd.s32 s1, s30  }
0xbb: {  	s0 =	sor.u32 s3, s0;
	s1 =	sshll.u32 s1, $0x11  }
0xbc: {  	s0 =	sor.u32 s1, s0  }
0xbd: {  	s0 =	sadd.s32 $0x8F2B, s0  }
0xbe: {  	[sflag:s0] =	ssyncadd.remote.s32 $0x1  }
0xbf: {  	_ =	sfence.sel $0xFFFF  }
0xc0: {  	[dreg:$0x0] =	wrdreg $0xFFFFFFFF;
	(pc) =	sbr.abs _section_cstart, $3  }
0xc1: {  	[dreg:$0x1] =	wrdreg $0xFFFFFFFF  }
0xc2: {  	_ =	task.clear_ibuf [dreg:s7], $0x2FFFF;
	_ =	strace $0x9FFFFFFF  }
0xc3: {  	(tm) =	ssettm $0x7FFFFFFF  }
tec
execute0_lowered:
.L_overlay_start_1:
0x0: {  	(tag) =	ssettag $0x1  }
0x1: {  	s5 =	rddreg [dreg:$0x0]  }
0x2: {  	s4 =	rddreg [dreg:$0x1]  }
0x3: {  	s2 =	rddreg [dreg:$0x2]  }
0x4: {  	s0 =	rddreg [dreg:$0x3]  }
0x5: {  	s3 =	simm.s32 $0x0;
	s6 =	srdreg.scid;
	s1 =	stileid.u32  }
0x6: {  	s12 =	simm.s32 $0x2800;
	s13 =	simm.s32 $0x1;
	s14 =	simm.s32 $0x20  }
0x7: {  	s15 =	simm.s32 $0x10;
	s16 =	simm.s32 $0x0;
	s7 =	smul.u32 $0x500, s1  }
0x8: {  	[smem:$0x7FF] =	sst s3;
	s6 =	sand.u32 $0x1, s6;
	s26 =	smul.u32 $0x2800, s1  }
0x9: {  	s11 =	smul.u32 $0x280, s1;
	s31 =	sshll.u32 s1, $0x6;
	_ =	strace $0x80000047  }
0xa: {  	s8 =	sshll.u32 s6, $0x7;
	s9 =	smul.u32 $0x28000, s6;
	s6 =	ssub.s32 $0x2, s6  }
0xb: {  	s7 =	sor.u32 s8, s7;
	s10 =	sshrl.u32 s6, $0x1;
	s29 =	sadd.s32 s11, s2  }
0xc: {  	s30 =	sshrl.u32 s11, $0x3;
	s11 =	simm.s32 $0x80;
	s7 =	sshrl.u32 s7, $0x3  }
0xd: {  	s10 =	ssub.s32 s6, s10;
	s28 =	sadd.s32 s9, s26;
	s4 =	sadd.s32 s4, s30  }
0xe: {  	s9 =	sshrl.u32 s29, $0x3;
	s7 =	sadd.s32 s7, s5;
	s6 =	sshrl.u32 s28, $0x3  }
0xf: {  	s8 =	smax.u32 s10, $0x1;
	s10 =	simm.s32 $0x2;
	s6 =	sadd.s32 s5, s6  }
0x10: {  	v0 =	vimm.f32 $1.000000000e+00;
	s5 =	sor.u32 $0x1C02, s31;
	s7 =	sadd.s32 $0x16E00, s7;
	s6 =	sadd.s32 $0xCE00, s6  }
.LBB2_1:
0x11: {  	[spmem:s9], [sflag:s5] =	dma.local [hbm:s4], $0x50  }
0x12: {  	_ =	swait.ge [sflag:s10], $0x50  }
0x13: {  	[sflag:s10] =	ssyncset.done $0x0  }
0x14: {  	[sflag:s10] =	ssyncadd.s32 $0xFFFFFFB0  }
0x15: {  	[tilespmem:s3], [sflag:$0x2] =	stream.linear.gather [hbm4b:s6+s3], $0x2800, $0x38;
	[tilespmem:$0x2B00] =	vst v63  }
0x16: {  	_ =	swait.ge [sflag:s10], $0x2800  }
0x17: {  	[sflag:s10] =	ssyncset.done $0x0  }
0x18: {  	[sflag:s10] =	ssyncadd.s32 $0xFFFFD800  }
0x19: {  	[tilespmem:$0x2800] =	vst v0  }
0x1a: {  	[tilespmem:$0x2810] =	vst v0  }
0x1b: {  	[tilespmem:$0x2820] =	vst v0  }
0x1c: {  	[tilespmem:$0x2830] =	vst v0  }
0x1d: {  	[tilespmem:$0x2840] =	vst v0  }
0x1e: {  	[tilespmem:$0x2850] =	vst v0  }
0x1f: {  	[tilespmem:$0x2860] =	vst v0  }
0x20: {  	[tilespmem:$0x2870] =	vst v0  }
0x21: {  	s17 =	simm.s32 $0x0;
	[bflag:$0x0] =	sbarrier.arrive $0xFFFF  }
.LBB2_2:
0x22: {  	p0 =	sne.s32 s17, $0x9E00  }
.Ltmp0:
0x23: {  	_ = 	snop;
	(pc) =	sbr.rel @p0 .LBB2_2-.Ltmp0, $3  }
0x24: {  	_ =	sdelay $0x1  }
0x25: {  	s18 =	sshra.s32 s17, $0x2;
	s17 =	sadd.s32 $0x200, s17  }
0x26: {  	[spmem:s2] =	stream.indirect.scatter.add.f32 [tilespmem:s12], [sflag:$0x1], $0x1, s18, s11, $0xb8;
	[tilespmem:$0x2B00] =	vst v63  }
0x27: {  	_ =	swait.ge [sflag:s13], $0x80  }
0x28: {  	s17 =	simm.s32 $0x4F;
	[sflag:s13] =	ssyncset.done $0x0  }
.LBB2_4:
0x29: {  	p0 =	sne.s32 s17, $0x1;
	s17 =	sadd.s32 $0xFFFFFFFF, s17;
	[sflag:s13] =	ssyncadd.s32 $0xFFFFFF80  }
.Ltmp1:
0x2a: {  	(pc) =	sbr.rel @p0 .LBB2_4-.Ltmp1, $3  }
0x2b: {  	_ =	sdelay $0x1  }
0x2c: {  	_ =	swait.ge [sflag:s13], $0x80  }
0x2d: {  	[sflag:s13] =	ssyncset.done $0x0  }
0x2e: {  	s16 =	sadd.s32 $0x1, s16  }
0x2f: {  	[sflag:s13] =	ssyncadd.s32 $0xFFFFFF80;
	p0 =	sne.s32 s16, s8  }
.Ltmp2:
0x30: {  	[bflag:$0x0] =	sbarrier.arrive $0xFFFF;
	(pc) =	sbr.rel @p0 .LBB2_1-.Ltmp2, $4  }
0x31: {  	[hbm:s7@s14], [sflag:s5] =	dma.strided [spmem:s9@s15], $0x50, s13, $0x10   }
0x32: {  	_ =	swait.ge [sflag:s10], $0x50  }
0x33: {  	[sflag:s10] =	ssyncset.done $0x0  }
0x34: {  	[sflag:s10] =	ssyncadd.s32 $0xFFFFFFB0  }
0x35: {  	_ =	sfence.sel $0x180000  }
0x36: {  	[bflag:$0x0] =	sbarrier.arrive $0xFFFF  }
0x37: {  	p0 =	sne.s32 s1, $0x0;
	_ =	strace $0x90000047  }
0x38: {  	s0 =	sadd.s32 @!p0 $0x100000, s0;
	[bflag:$0x2] =	sbarrier.arrive $0xFFFF  }
0x39: {  	[sflag:s0] =	ssyncadd.tile.s32 @!p0 $0x1;
	_ =	shalt  }
.Lfunc_end2:
_tile_overlayer_lowered:
.L_overlay_start_2:
0x3a: {  	(tag) =	ssettag $0x2  }
0x3b: {  	s0 =	rddreg [dreg:$0x0];
	s2 =	stileid.u32  }
0x3c: {  	s1 =	rddreg [dreg:$0x1];
	p0 =	sne.s32 s2, $0x0  }
0x3d: {  	s3 =	rddreg [dreg:$0x2];
	[bflag:$0x3] =	sbarrier.arrive $0xFFFF;
	s2 =	simm.s32 @!p0 $0x1C02  }
0x3e: {  	[timem:s3], [sflag:s2] =	dma.local @!p0 [hbm:s0], s1  }
0x3f: {  	s0 =	simm.s32 @!p0 $0x2  }
0x40: {  	_ =	swait.ge @!p0 [sflag:s0], s1  }
0x41: {  	s1 =	ssub.s32 @!p0 $0x0, s1;
	[sflag:s0] =	ssyncset.done @!p0 $0x0  }
0x42: {  	[sflag:s0] =	ssyncadd.s32 @!p0 s1  }
0x43: {  	[bflag:$0x3] =	sbarrier.arrive $0xFFFF  }
0x44: {  	_ =	shalt  }

</sc_bundles>
